<compile_context>
chip_gen: v7x
topology: tpu7x:2x2x1
jax: 0.10.2.dev20260603
libtpu: 0.0.44.dev20260713+nightly
codegen_flags: <defaults>
</compile_context>

<pallas_src>
import functools

import jax
import jax.numpy as jnp
from jax import lax
from jax.experimental import pallas as pl
from jax.experimental.pallas import tpu as pltpu
from jax.experimental.pallas import tpu_sc as plsc

VOCAB = 100000
EMB = 300
PAD_D = 16
VBLK = 8192
NBLK = 13
LOG_VBLK = 13
LOG_JB = 10
JB = VBLK // 8
SLOT_ROWS = NBLK * VBLK // 8

NUM_CORES = 2
NUM_SUBCORES = 16
NW = NUM_CORES * NUM_SUBCORES
LANES = 16


def _mlp_table_body(tab_ref, w1_ref, b1_ref, w2_ref, b2_ref, out_ref):
    emb_t = tab_ref[...]
    w1p = jnp.concatenate(
        [w1_ref[...], jnp.zeros((5, EMB), jnp.float32)], axis=0
    )
    w2p = jnp.concatenate(
        [w2_ref[...], jnp.zeros((2, 5), jnp.float32)], axis=1
    )
    w2r = jnp.concatenate([w2p] * 8, axis=0)
    h_t = jnp.dot(w1p, emb_t, preferred_element_type=jnp.float32)
    h_t = jnp.maximum(h_t + b1_ref[...], 0.0)
    o16_t = (
        jnp.dot(w2r, h_t, preferred_element_type=jnp.float32)
        + b2_ref[...]
    )
    c = VBLK // 8
    out_ref[...] = jnp.concatenate(
        [o16_t[:, j * c:(j + 1) * c].T for j in range(8)], axis=1
    )


def _fused_table(table_t, W1, b1, W2r, b2r):
    return pl.pallas_call(
        _mlp_table_body,
        grid=(NBLK,),
        in_specs=[
            pl.BlockSpec((EMB, VBLK), lambda i: (0, i)),
            pl.BlockSpec((3, EMB), lambda i: (0, 0)),
            pl.BlockSpec((8, 1), lambda i: (0, 0)),
            pl.BlockSpec((2, 3), lambda i: (0, 0)),
            pl.BlockSpec((PAD_D, 1), lambda i: (0, 0)),
        ],
        out_specs=pl.BlockSpec((VBLK // 8, 128), lambda i: (i, 0)),
        out_shape=jax.ShapeDtypeStruct((SLOT_ROWS, 128), jnp.float32),
    )(table_t, W1, b1, W2r, b2r)


def _make_gather(B, S):
    n_idx = B * S
    b_per_w = n_idx // NW
    bw = B // NW
    mesh = plsc.VectorSubcoreMesh(core_axis_name="c", subcore_axis_name="s")

    @functools.partial(
        pl.kernel,
        mesh=mesh,
        compiler_params=pltpu.CompilerParams(use_tc_tiling_on_sc=False),
        out_type=jax.ShapeDtypeStruct((S, 2 * B), jnp.float32),
        scratch_types=[
            pltpu.VMEM((b_per_w,), jnp.int32),
            pltpu.VMEM((b_per_w, PAD_D), jnp.float32),
            pltpu.VMEM((S, 2 * bw), jnp.float32),
            pltpu.SemaphoreType.DMA,
            pltpu.SemaphoreType.DMA,
        ],
    )
    def gather(tab_hbm, idx_hbm, out_hbm, idx_v, rows_v, cmp_v, sem, sem2):
        wid = lax.axis_index("s") * NUM_CORES + lax.axis_index("c")
        base = wid * b_per_w
        pltpu.sync_copy(idx_hbm.at[pl.ds(base, b_per_w)], idx_v)

        def slotify(i, acc):
            v = idx_v[pl.ds(LANES * i, LANES)]
            g = (
                lax.shift_left(lax.shift_right_logical(v, LOG_VBLK), LOG_VBLK)
                + lax.shift_left(lax.bitwise_and(v, JB - 1), 3)
                + lax.bitwise_and(lax.shift_right_logical(v, LOG_JB), 7)
            )
            idx_v[pl.ds(LANES * i, LANES)] = g
            return acc

        lax.fori_loop(0, b_per_w // LANES, slotify, 0, unroll=4)

        half = b_per_w // 2
        cp1 = pltpu.async_copy(
            tab_hbm.at[idx_v.at[pl.ds(0, half)]], rows_v.at[pl.ds(0, half)], sem
        )
        cp2 = pltpu.async_copy(
            tab_hbm.at[idx_v.at[pl.ds(half, half)]],
            rows_v.at[pl.ds(half, half)],
            sem2,
        )

        lane = lax.iota(jnp.int32, LANES)

        def compact(m, acc_):
            s = lax.shift_right_logical(m, 2)
            h = lax.bitwise_and(m, 3) + acc_
            rbase = (LANES * S) * h + s
            acc0 = jnp.zeros((LANES,), jnp.float32)
            acc1 = jnp.zeros((LANES,), jnp.float32)
            for l in range(LANES):
                row = rows_v[rbase + S * l, :]
                rrow = lax.rev(row, (0,))
                pick = lane == l
                if l % 2 == 0:
                    acc0 = jnp.where(pick, row, acc0)
                    acc1 = jnp.where(pick, rrow, acc1)
                else:
                    acc0 = jnp.where(pick, rrow, acc0)
                    acc1 = jnp.where(pick, row, acc1)
            cmp_v[s, pl.ds(LANES * h, LANES)] = acc0
            cmp_v[s, pl.ds(bw + LANES * h, LANES)] = acc1
            return acc_

        nhalf = S * (bw // LANES) // 2
        cp1.wait()
        lax.fori_loop(0, nhalf, compact, 0, unroll=2)
        cp2.wait()
        lax.fori_loop(0, nhalf, compact, 4, unroll=2)
        pltpu.sync_copy(cmp_v, out_hbm.at[:, pl.ds(2 * bw * wid, 2 * bw)])

    return gather


def kernel(x, table, W1, b1, W2, b2):
    B, S = x.shape
    b1p = jnp.zeros((8, 1), jnp.float32).at[:3, 0].set(b1)
    b2r = jnp.tile(b2, 8).reshape(PAD_D, 1)

    fused = _fused_table(table.T, W1.T, b1p, W2.T, b2r)
    fused_lin = fused.reshape(SLOT_ROWS * 8, PAD_D)

    idx = x.reshape(-1).astype(jnp.int32)
    flat = _make_gather(B, S)(fused_lin, idx)
    bw = B // NW
    out = flat.reshape(S, NW, 2, bw).transpose(1, 3, 0, 2).reshape(B, S, 2)
    return out

# --- scband reference (transcript-rebuilt; emitter-appended) ---
"""Pipeline reference for scband-net-13228499271942 (READ-ONLY COPY).

The authoritative reference and input builder live on the scoring server;
editing this copy changes nothing except your own understanding.
"""

import jax, jax.numpy as jnp
import numpy as np

VOCAB = 100000
EMB_DIM = 300
BATCH = 4096
SEQ = 50


def setup_inputs(seed: int = 0) -> dict:
    key = jax.random.key(seed)
    k1, k2, k3, k4, k5, k6 = jax.random.split(key, 6)
    x = jax.random.randint(k1, (BATCH, SEQ), 0, VOCAB, dtype=jnp.int64 if jax.config.jax_enable_x64 else jnp.int32)
    table = jax.random.normal(k2, (VOCAB, EMB_DIM), dtype=jnp.float32) * 0.02
    W1 = jax.random.normal(k3, (EMB_DIM, 3), dtype=jnp.float32) * (1.0 / np.sqrt(EMB_DIM))
    b1 = jax.random.normal(k4, (3,), dtype=jnp.float32) * 0.01
    W2 = jax.random.normal(k5, (3, 2), dtype=jnp.float32) * (1.0 / np.sqrt(3.0))
    b2 = jax.random.normal(k6, (2,), dtype=jnp.float32) * 0.01
    return {"x": x, "table": table, "W1": W1, "b1": b1, "W2": W2, "b2": b2}


def reference(x, table, W1, b1, W2, b2):
    emb = jnp.take(table, x, axis=0)            # [B, S, 300] gather (embedding lookup)
    h = jax.nn.relu(emb @ W1 + b1)              # fc1: 300 -> 3
    out = h @ W2 + b2                            # fc2: 3 -> 2
    return out

if __name__ == "__main__":
    import jax
    _d = setup_inputs()
    print(jax.jit(kernel)(*tuple(_d.values())))

</pallas_src>

<mosaic_0001>
#map = affine_map<(d0, d1) -> (0, 0)>
#map1 = affine_map<(d0, d1) -> (0)>
module attributes {stable_mosaic.version = 14 : i64} {
  func.func @gather(%arg0: i32, %arg1: i32, %arg2: memref<106496x16xf32, #tpu.memory_space<hbm>>, %arg3: memref<204800xi32, #tpu.memory_space<hbm>>, %arg4: memref<50x8192xf32, #tpu.memory_space<hbm>>, %arg5: memref<6400xi32, #tpu.memory_space<vmem>>, %arg6: memref<6400x16xf32, #tpu.memory_space<vmem>>, %arg7: memref<50x256xf32, #tpu.memory_space<vmem>>, %arg8: memref<!tpu.dma_semaphore, #tpu.memory_space<semaphore_mem>>, %arg9: memref<!tpu.dma_semaphore, #tpu.memory_space<semaphore_mem>>) attributes {dimension_semantics = [#tpu.dimension_semantics<core_parallel>, #tpu.dimension_semantics<subcore_parallel>], iteration_bounds = array<i64: 2, 16>, scalar_prefetch = 0 : i64, scratch_operands = 5 : i64, tpu.core_type = #tpu.core_type<sc_vector_subcore>, window_params = [{transform_indices = #map}, {transform_indices = #map1}, {transform_indices = #map}]} {
    %mul3A = arith.constant 2 : i32
    %mul3A_0 = arith.muli %arg1, %mul3A : i32
    %add3A = arith.addi %mul3A_0, %arg0 : i32
    %mul3A_1 = arith.constant 6400 : i32
    %mul3A_2 = arith.muli %add3A, %mul3A_1 : i32
    "tpu.region"() ({
      %run_scoped3A = tpu.sem_alloc : memref<!tpu.dma_semaphore, #tpu.memory_space<semaphore_mem>>
      %dma_start3A_52 = tpu.memref_slice %arg3[%mul3A_2] : memref<204800xi32, #tpu.memory_space<hbm>> -> memref<6400xi32, #tpu.memory_space<hbm>>
      %dma_start3A_53 = tpu.memref_slice %arg3[%mul3A_2] : memref<204800xi32, #tpu.memory_space<hbm>> -> memref<6400xi32, #tpu.memory_space<hbm>>
      tpu.enqueue_dma source(%dma_start3A_53 : memref<6400xi32, #tpu.memory_space<hbm>>) target(%arg5 : memref<6400xi32, #tpu.memory_space<vmem>>) target_semaphore(%run_scoped3A : memref<!tpu.dma_semaphore, #tpu.memory_space<semaphore_mem>>)
      %dma_wait3A_54 = tpu.memref_slice %arg3[%mul3A_2] : memref<204800xi32, #tpu.memory_space<hbm>> -> memref<6400xi32, #tpu.memory_space<hbm>>
      %dma_wait3A_55 = tpu.memref_slice %arg3[%mul3A_2] : memref<204800xi32, #tpu.memory_space<hbm>> -> memref<6400xi32, #tpu.memory_space<hbm>>
      tpu.wait_dma2 semaphore(%run_scoped3A : memref<!tpu.dma_semaphore, #tpu.memory_space<semaphore_mem>>) src(%dma_wait3A_55 : memref<6400xi32, #tpu.memory_space<hbm>>) dst(%arg5 : memref<6400xi32, #tpu.memory_space<vmem>>)
      tpu.yield
    }) : () -> ()
    %scan3A = arith.constant 0 : i32
    %scan3A_3 = arith.constant 0 : i32
    %scan3A_4 = arith.constant 400 : i32
    %scan3A_5 = arith.addi %scan3A_3, %scan3A_4 : i32
    %scan3A_6 = arith.constant 4 : i32
    scf.for %scan3A_52 = %scan3A_3 to %scan3A_5 step %scan3A_6  : i32 {
      %mul3A_53 = arith.constant 16 : i32
      %mul3A_54 = arith.muli %mul3A_53, %scan3A_52 : i32
      %get3A = arith.index_cast %mul3A_54 : i32 to index
      %get3A_55 = tpu.vector_load %arg5[%get3A] {strides = array<i32>} : memref<6400xi32, #tpu.memory_space<vmem>>, vector<16xi32>,
      %get3A_56 = vector.shape_cast %get3A_55 : vector<16xi32> to vector<16xi32>
      %shift_right_logical3A = arith.constant 13 : i32
      %shift_right_logical3A_57 = vector.broadcast %shift_right_logical3A : i32 to vector<16xi32>
      %shift_right_logical3A_58 = arith.shrui %get3A_56, %shift_right_logical3A_57 : vector<16xi32>
      %shift_left3A = arith.constant 13 : i32
      %shift_left3A_59 = vector.broadcast %shift_left3A : i32 to vector<16xi32>
      %shift_left3A_60 = arith.shli %shift_right_logical3A_58, %shift_left3A_59 : vector<16xi32>
      %and3A = arith.constant 1023 : i32
      %and3A_61 = vector.broadcast %and3A : i32 to vector<16xi32>
      %and3A_62 = arith.andi %get3A_56, %and3A_61 : vector<16xi32>
      %shift_left3A_63 = arith.constant 3 : i32
      %shift_left3A_64 = vector.broadcast %shift_left3A_63 : i32 to vector<16xi32>
      %shift_left3A_65 = arith.shli %and3A_62, %shift_left3A_64 : vector<16xi32>
      %add3A_66 = arith.addi %shift_left3A_60, %shift_left3A_65 : vector<16xi32>
      %shift_right_logical3A_67 = arith.constant 10 : i32
      %shift_right_logical3A_68 = vector.broadcast %shift_right_logical3A_67 : i32 to vector<16xi32>
      %shift_right_logical3A_69 = arith.shrui %get3A_56, %shift_right_logical3A_68 : vector<16xi32>
      %and3A_70 = arith.constant 7 : i32
      %and3A_71 = vector.broadcast %and3A_70 : i32 to vector<16xi32>
      %and3A_72 = arith.andi %shift_right_logical3A_69, %and3A_71 : vector<16xi32>
      %add3A_73 = arith.addi %add3A_66, %and3A_72 : vector<16xi32>
      %mul3A_74 = arith.constant 16 : i32
      %mul3A_75 = arith.muli %mul3A_74, %scan3A_52 : i32
      %swap3A = arith.index_cast %mul3A_75 : i32 to index
      %swap3A_76 = tpu.vector_load %arg5[%swap3A] {strides = array<i32>} : memref<6400xi32, #tpu.memory_space<vmem>>, vector<16xi32>,
      %swap3A_77 = vector.shape_cast %swap3A_76 : vector<16xi32> to vector<16xi32>
      %swap3A_78 = vector.shape_cast %add3A_73 : vector<16xi32> to vector<16xi32>
      tpu.vector_store %arg5[%swap3A], %swap3A_78 {strides = array<i32>} : memref<6400xi32, #tpu.memory_space<vmem>>, vector<16xi32>,
      %scan3A_79 = arith.constant 1 : i32
      %scan3A_80 = arith.addi %scan3A_52, %scan3A_79 : i32
      %mul3A_81 = arith.constant 16 : i32
      %mul3A_82 = arith.muli %mul3A_81, %scan3A_80 : i32
      %get3A_83 = arith.index_cast %mul3A_82 : i32 to index
      %get3A_84 = tpu.vector_load %arg5[%get3A_83] {strides = array<i32>} : memref<6400xi32, #tpu.memory_space<vmem>>, vector<16xi32>,
      %get3A_85 = vector.shape_cast %get3A_84 : vector<16xi32> to vector<16xi32>
      %shift_right_logical3A_86 = arith.constant 13 : i32
      %shift_right_logical3A_87 = vector.broadcast %shift_right_logical3A_86 : i32 to vector<16xi32>
      %shift_right_logical3A_88 = arith.shrui %get3A_85, %shift_right_logical3A_87 : vector<16xi32>
      %shift_left3A_89 = arith.constant 13 : i32
      %shift_left3A_90 = vector.broadcast %shift_left3A_89 : i32 to vector<16xi32>
      %shift_left3A_91 = arith.shli %shift_right_logical3A_88, %shift_left3A_90 : vector<16xi32>
      %and3A_92 = arith.constant 1023 : i32
      %and3A_93 = vector.broadcast %and3A_92 : i32 to vector<16xi32>
      %and3A_94 = arith.andi %get3A_85, %and3A_93 : vector<16xi32>
      %shift_left3A_95 = arith.constant 3 : i32
      %shift_left3A_96 = vector.broadcast %shift_left3A_95 : i32 to vector<16xi32>
      %shift_left3A_97 = arith.shli %and3A_94, %shift_left3A_96 : vector<16xi32>
      %add3A_98 = arith.addi %shift_left3A_91, %shift_left3A_97 : vector<16xi32>
      %shift_right_logical3A_99 = arith.constant 10 : i32
      %shift_right_logical3A_100 = vector.broadcast %shift_right_logical3A_99 : i32 to vector<16xi32>
      %shift_right_logical3A_101 = arith.shrui %get3A_85, %shift_right_logical3A_100 : vector<16xi32>
      %and3A_102 = arith.constant 7 : i32
      %and3A_103 = vector.broadcast %and3A_102 : i32 to vector<16xi32>
      %and3A_104 = arith.andi %shift_right_logical3A_101, %and3A_103 : vector<16xi32>
      %add3A_105 = arith.addi %add3A_98, %and3A_104 : vector<16xi32>
      %mul3A_106 = arith.constant 16 : i32
      %mul3A_107 = arith.muli %mul3A_106, %scan3A_80 : i32
      %swap3A_108 = arith.index_cast %mul3A_107 : i32 to index
      %swap3A_109 = tpu.vector_load %arg5[%swap3A_108] {strides = array<i32>} : memref<6400xi32, #tpu.memory_space<vmem>>, vector<16xi32>,
      %swap3A_110 = vector.shape_cast %swap3A_109 : vector<16xi32> to vector<16xi32>
      %swap3A_111 = vector.shape_cast %add3A_105 : vector<16xi32> to vector<16xi32>
      tpu.vector_store %arg5[%swap3A_108], %swap3A_111 {strides = array<i32>} : memref<6400xi32, #tpu.memory_space<vmem>>, vector<16xi32>,
      %scan3A_112 = arith.constant 2 : i32
      %scan3A_113 = arith.addi %scan3A_52, %scan3A_112 : i32
      %mul3A_114 = arith.constant 16 : i32
      %mul3A_115 = arith.muli %mul3A_114, %scan3A_113 : i32
      %get3A_116 = arith.index_cast %mul3A_115 : i32 to index
      %get3A_117 = tpu.vector_load %arg5[%get3A_116] {strides = array<i32>} : memref<6400xi32, #tpu.memory_space<vmem>>, vector<16xi32>,
      %get3A_118 = vector.shape_cast %get3A_117 : vector<16xi32> to vector<16xi32>
      %shift_right_logical3A_119 = arith.constant 13 : i32
      %shift_right_logical3A_120 = vector.broadcast %shift_right_logical3A_119 : i32 to vector<16xi32>
      %shift_right_logical3A_121 = arith.shrui %get3A_118, %shift_right_logical3A_120 : vector<16xi32>
      %shift_left3A_122 = arith.constant 13 : i32
      %shift_left3A_123 = vector.broadcast %shift_left3A_122 : i32 to vector<16xi32>
      %shift_left3A_124 = arith.shli %shift_right_logical3A_121, %shift_left3A_123 : vector<16xi32>
      %and3A_125 = arith.constant 1023 : i32
      %and3A_126 = vector.broadcast %and3A_125 : i32 to vector<16xi32>
      %and3A_127 = arith.andi %get3A_118, %and3A_126 : vector<16xi32>
      %shift_left3A_128 = arith.constant 3 : i32
      %shift_left3A_129 = vector.broadcast %shift_left3A_128 : i32 to vector<16xi32>
      %shift_left3A_130 = arith.shli %and3A_127, %shift_left3A_129 : vector<16xi32>
      %add3A_131 = arith.addi %shift_left3A_124, %shift_left3A_130 : vector<16xi32>
      %shift_right_logical3A_132 = arith.constant 10 : i32
      %shift_right_logical3A_133 = vector.broadcast %shift_right_logical3A_132 : i32 to vector<16xi32>
      %shift_right_logical3A_134 = arith.shrui %get3A_118, %shift_right_logical3A_133 : vector<16xi32>
      %and3A_135 = arith.constant 7 : i32
      %and3A_136 = vector.broadcast %and3A_135 : i32 to vector<16xi32>
      %and3A_137 = arith.andi %shift_right_logical3A_134, %and3A_136 : vector<16xi32>
      %add3A_138 = arith.addi %add3A_131, %and3A_137 : vector<16xi32>
      %mul3A_139 = arith.constant 16 : i32
      %mul3A_140 = arith.muli %mul3A_139, %scan3A_113 : i32
      %swap3A_141 = arith.index_cast %mul3A_140 : i32 to index
      %swap3A_142 = tpu.vector_load %arg5[%swap3A_141] {strides = array<i32>} : memref<6400xi32, #tpu.memory_space<vmem>>, vector<16xi32>,
      %swap3A_143 = vector.shape_cast %swap3A_142 : vector<16xi32> to vector<16xi32>
      %swap3A_144 = vector.shape_cast %add3A_138 : vector<16xi32> to vector<16xi32>
      tpu.vector_store %arg5[%swap3A_141], %swap3A_144 {strides = array<i32>} : memref<6400xi32, #tpu.memory_space<vmem>>, vector<16xi32>,
      %scan3A_145 = arith.constant 3 : i32
      %scan3A_146 = arith.addi %scan3A_52, %scan3A_145 : i32
      %mul3A_147 = arith.constant 16 : i32
      %mul3A_148 = arith.muli %mul3A_147, %scan3A_146 : i32
      %get3A_149 = arith.index_cast %mul3A_148 : i32 to index
      %get3A_150 = tpu.vector_load %arg5[%get3A_149] {strides = array<i32>} : memref<6400xi32, #tpu.memory_space<vmem>>, vector<16xi32>,
      %get3A_151 = vector.shape_cast %get3A_150 : vector<16xi32> to vector<16xi32>
      %shift_right_logical3A_152 = arith.constant 13 : i32
      %shift_right_logical3A_153 = vector.broadcast %shift_right_logical3A_152 : i32 to vector<16xi32>
      %shift_right_logical3A_154 = arith.shrui %get3A_151, %shift_right_logical3A_153 : vector<16xi32>
      %shift_left3A_155 = arith.constant 13 : i32
      %shift_left3A_156 = vector.broadcast %shift_left3A_155 : i32 to vector<16xi32>
      %shift_left3A_157 = arith.shli %shift_right_logical3A_154, %shift_left3A_156 : vector<16xi32>
      %and3A_158 = arith.constant 1023 : i32
      %and3A_159 = vector.broadcast %and3A_158 : i32 to vector<16xi32>
      %and3A_160 = arith.andi %get3A_151, %and3A_159 : vector<16xi32>
      %shift_left3A_161 = arith.constant 3 : i32
      %shift_left3A_162 = vector.broadcast %shift_left3A_161 : i32 to vector<16xi32>
      %shift_left3A_163 = arith.shli %and3A_160, %shift_left3A_162 : vector<16xi32>
      %add3A_164 = arith.addi %shift_left3A_157, %shift_left3A_163 : vector<16xi32>
      %shift_right_logical3A_165 = arith.constant 10 : i32
      %shift_right_logical3A_166 = vector.broadcast %shift_right_logical3A_165 : i32 to vector<16xi32>
      %shift_right_logical3A_167 = arith.shrui %get3A_151, %shift_right_logical3A_166 : vector<16xi32>
      %and3A_168 = arith.constant 7 : i32
      %and3A_169 = vector.broadcast %and3A_168 : i32 to vector<16xi32>
      %and3A_170 = arith.andi %shift_right_logical3A_167, %and3A_169 : vector<16xi32>
      %add3A_171 = arith.addi %add3A_164, %and3A_170 : vector<16xi32>
      %mul3A_172 = arith.constant 16 : i32
      %mul3A_173 = arith.muli %mul3A_172, %scan3A_146 : i32
      %swap3A_174 = arith.index_cast %mul3A_173 : i32 to index
      %swap3A_175 = tpu.vector_load %arg5[%swap3A_174] {strides = array<i32>} : memref<6400xi32, #tpu.memory_space<vmem>>, vector<16xi32>,
      %swap3A_176 = vector.shape_cast %swap3A_175 : vector<16xi32> to vector<16xi32>
      %swap3A_177 = vector.shape_cast %add3A_171 : vector<16xi32> to vector<16xi32>
      tpu.vector_store %arg5[%swap3A_174], %swap3A_177 {strides = array<i32>} : memref<6400xi32, #tpu.memory_space<vmem>>, vector<16xi32>,
    }
    %scan3A_7 = arith.constant 400 : i32
    %dma_start3A = arith.constant 0 : i32
    %dma_start3A_8 = arith.constant 0 : i32
    %dma_start3A_9 = tpu.memref_slice %arg6[%dma_start3A, %dma_start3A_8] : memref<6400x16xf32, #tpu.memory_space<vmem>> -> memref<3200x16xf32, #tpu.memory_space<vmem>>
    %dma_start3A_10 = arith.constant 0 : i32
    %dma_start3A_11 = tpu.memref_slice %arg5[%dma_start3A_10] : memref<6400xi32, #tpu.memory_space<vmem>> -> memref<3200xi32, #tpu.memory_space<vmem>>
    %dma_start3A_12 = arith.constant 0 : i32
    %dma_start3A_13 = arith.constant 0 : i32
    %dma_start3A_14 = tpu.memref_slice %arg2[%dma_start3A_12, %dma_start3A_13] : memref<106496x16xf32, #tpu.memory_space<hbm>> -> memref<106496x16xf32, #tpu.memory_space<hbm>>
    tpu.enqueue_indirect_dma source(%dma_start3A_14 : memref<106496x16xf32, #tpu.memory_space<hbm>>) target(%dma_start3A_9 : memref<3200x16xf32, #tpu.memory_space<vmem>>) offsets(%dma_start3A_11 : memref<3200xi32, #tpu.memory_space<vmem>>) semaphore(%arg8 : memref<!tpu.dma_semaphore, #tpu.memory_space<semaphore_mem>>)
    %dma_start3A_15 = arith.constant 3200 : i32
    %dma_start3A_16 = arith.constant 0 : i32
    %dma_start3A_17 = tpu.memref_slice %arg6[%dma_start3A_15, %dma_start3A_16] : memref<6400x16xf32, #tpu.memory_space<vmem>> -> memref<3200x16xf32, #tpu.memory_space<vmem>>
    %dma_start3A_18 = arith.constant 3200 : i32
    %dma_start3A_19 = tpu.memref_slice %arg5[%dma_start3A_18] : memref<6400xi32, #tpu.memory_space<vmem>> -> memref<3200xi32, #tpu.memory_space<vmem>>
    %dma_start3A_20 = arith.constant 0 : i32
    %dma_start3A_21 = arith.constant 0 : i32
    %dma_start3A_22 = tpu.memref_slice %arg2[%dma_start3A_20, %dma_start3A_21] : memref<106496x16xf32, #tpu.memory_space<hbm>> -> memref<106496x16xf32, #tpu.memory_space<hbm>>
    tpu.enqueue_indirect_dma source(%dma_start3A_22 : memref<106496x16xf32, #tpu.memory_space<hbm>>) target(%dma_start3A_17 : memref<3200x16xf32, #tpu.memory_space<vmem>>) offsets(%dma_start3A_19 : memref<3200xi32, #tpu.memory_space<vmem>>) semaphore(%arg9 : memref<!tpu.dma_semaphore, #tpu.memory_space<semaphore_mem>>)
    %iota3A = tpu.iota {dimensions = array<i32: 0>} : vector<16xi32>
    %dma_wait3A = arith.constant 0 : i32
    %dma_wait3A_23 = arith.constant 0 : i32
    %dma_wait3A_24 = tpu.memref_slice %arg6[%dma_wait3A, %dma_wait3A_23] : memref<6400x16xf32, #tpu.memory_space<vmem>> -> memref<3200x16xf32, #tpu.memory_space<vmem>>
    %dma_wait3A_25 = arith.constant 0 : i32
    %dma_wait3A_26 = tpu.memref_slice %arg5[%dma_wait3A_25] : memref<6400xi32, #tpu.memory_space<vmem>> -> memref<3200xi32, #tpu.memory_space<vmem>>
    %dma_wait3A_27 = arith.constant 0 : i32
    %dma_wait3A_28 = arith.constant 0 : i32
    %dma_wait3A_29 = tpu.memref_slice %arg2[%dma_wait3A_27, %dma_wait3A_28] : memref<106496x16xf32, #tpu.memory_space<hbm>> -> memref<106496x16xf32, #tpu.memory_space<hbm>>
    tpu.wait_indirect_dma semaphore(%arg8 : memref<!tpu.dma_semaphore, #tpu.memory_space<semaphore_mem>>) src(%dma_wait3A_29 : memref<106496x16xf32, #tpu.memory_space<hbm>>) dst(%dma_wait3A_24 : memref<3200x16xf32, #tpu.memory_space<vmem>>)
    %scan3A_30 = arith.constant 0 : i32
    %scan3A_31 = arith.constant 0 : i32
    %scan3A_32 = arith.constant 200 : i32
    %scan3A_33 = arith.addi %scan3A_31, %scan3A_32 : i32
    %scan3A_34 = arith.constant 2 : i32
    scf.for %scan3A_52 = %scan3A_31 to %scan3A_33 step %scan3A_34  : i32 {
      %shift_right_logical3A = arith.constant 2 : i32
      %shift_right_logical3A_53 = arith.shrui %scan3A_52, %shift_right_logical3A : i32
      %and3A = arith.constant 3 : i32
      %and3A_54 = arith.andi %scan3A_52, %and3A : i32
      %add3A_55 = arith.addi %and3A_54, %scan3A_30 : i32
      %mul3A_56 = arith.constant 800 : i32
      %mul3A_57 = arith.muli %mul3A_56, %add3A_55 : i32
      %add3A_58 = arith.addi %mul3A_57, %shift_right_logical3A_53 : i32
      %broadcast_in_dim3A = arith.constant 0.000000e+00 : f32
      %broadcast_in_dim3A_59 = vector.broadcast %broadcast_in_dim3A : f32 to vector<16xf32>
      %broadcast_in_dim3A_60 = arith.constant 0.000000e+00 : f32
      %broadcast_in_dim3A_61 = vector.broadcast %broadcast_in_dim3A_60 : f32 to vector<16xf32>
      %add3A_62 = arith.constant 0 : i32
      %add3A_63 = arith.addi %add3A_58, %add3A_62 : i32
      %get3A = arith.index_cast %add3A_63 : i32 to index
      %get3A_64 = arith.constant 0 : index
      %get3A_65 = tpu.vector_load %arg6[%get3A, %get3A_64] {strides = array<i32>} : memref<6400x16xf32, #tpu.memory_space<vmem>>, vector<1x16xf32>,
      %get3A_66 = vector.shape_cast %get3A_65 : vector<1x16xf32> to vector<16xf32>
      %rev3A = arith.constant 15 : i32
      %rev3A_67 = vector.broadcast %rev3A : i32 to vector<16xi32>
      %rev3A_68 = tpu.iota {dimensions = array<i32: 0>} : vector<16xi32>
      %rev3A_69 = arith.subi %rev3A_67, %rev3A_68 : vector<16xi32>
      %rev3A_70 = tpu.dynamic_gather %get3A_66[%rev3A_69] in [0] : vector<16xf32>, vector<16xi32> -> vector<16xf32>
      %eq3A = arith.constant 0 : i32
      %eq3A_71 = vector.broadcast %eq3A : i32 to vector<16xi32>
      %eq3A_72 = arith.cmpi eq, %iota3A, %eq3A_71 : vector<16xi32>
      %select_n3A = arith.select %eq3A_72, %get3A_66, %broadcast_in_dim3A_59 : vector<16xi1>, vector<16xf32>
      %select_n3A_73 = arith.select %eq3A_72, %rev3A_70, %broadcast_in_dim3A_61 : vector<16xi1>, vector<16xf32>
      %add3A_74 = arith.constant 50 : i32
      %add3A_75 = arith.addi %add3A_58, %add3A_74 : i32
      %get3A_76 = arith.index_cast %add3A_75 : i32 to index
      %get3A_77 = arith.constant 0 : index
      %get3A_78 = tpu.vector_load %arg6[%get3A_76, %get3A_77] {strides = array<i32>} : memref<6400x16xf32, #tpu.memory_space<vmem>>, vector<1x16xf32>,
      %get3A_79 = vector.shape_cast %get3A_78 : vector<1x16xf32> to vector<16xf32>
      %rev3A_80 = arith.constant 15 : i32
      %rev3A_81 = vector.broadcast %rev3A_80 : i32 to vector<16xi32>
      %rev3A_82 = tpu.iota {dimensions = array<i32: 0>} : vector<16xi32>
      %rev3A_83 = arith.subi %rev3A_81, %rev3A_82 : vector<16xi32>
      %rev3A_84 = tpu.dynamic_gather %get3A_79[%rev3A_83] in [0] : vector<16xf32>, vector<16xi32> -> vector<16xf32>
      %eq3A_85 = arith.constant 1 : i32
      %eq3A_86 = vector.broadcast %eq3A_85 : i32 to vector<16xi32>
      %eq3A_87 = arith.cmpi eq, %iota3A, %eq3A_86 : vector<16xi32>
      %select_n3A_88 = arith.select %eq3A_87, %rev3A_84, %select_n3A : vector<16xi1>, vector<16xf32>
      %select_n3A_89 = arith.select %eq3A_87, %get3A_79, %select_n3A_73 : vector<16xi1>, vector<16xf32>
      %add3A_90 = arith.constant 100 : i32
      %add3A_91 = arith.addi %add3A_58, %add3A_90 : i32
      %get3A_92 = arith.index_cast %add3A_91 : i32 to index
      %get3A_93 = arith.constant 0 : index
      %get3A_94 = tpu.vector_load %arg6[%get3A_92, %get3A_93] {strides = array<i32>} : memref<6400x16xf32, #tpu.memory_space<vmem>>, vector<1x16xf32>,
      %get3A_95 = vector.shape_cast %get3A_94 : vector<1x16xf32> to vector<16xf32>
      %rev3A_96 = arith.constant 15 : i32
      %rev3A_97 = vector.broadcast %rev3A_96 : i32 to vector<16xi32>
      %rev3A_98 = tpu.iota {dimensions = array<i32: 0>} : vector<16xi32>
      %rev3A_99 = arith.subi %rev3A_97, %rev3A_98 : vector<16xi32>
      %rev3A_100 = tpu.dynamic_gather %get3A_95[%rev3A_99] in [0] : vector<16xf32>, vector<16xi32> -> vector<16xf32>
      %eq3A_101 = arith.constant 2 : i32
      %eq3A_102 = vector.broadcast %eq3A_101 : i32 to vector<16xi32>
      %eq3A_103 = arith.cmpi eq, %iota3A, %eq3A_102 : vector<16xi32>
      %select_n3A_104 = arith.select %eq3A_103, %get3A_95, %select_n3A_88 : vector<16xi1>, vector<16xf32>
      %select_n3A_105 = arith.select %eq3A_103, %rev3A_100, %select_n3A_89 : vector<16xi1>, vector<16xf32>
      %add3A_106 = arith.constant 150 : i32
      %add3A_107 = arith.addi %add3A_58, %add3A_106 : i32
      %get3A_108 = arith.index_cast %add3A_107 : i32 to index
      %get3A_109 = arith.constant 0 : index
      %get3A_110 = tpu.vector_load %arg6[%get3A_108, %get3A_109] {strides = array<i32>} : memref<6400x16xf32, #tpu.memory_space<vmem>>, vector<1x16xf32>,
      %get3A_111 = vector.shape_cast %get3A_110 : vector<1x16xf32> to vector<16xf32>
      %rev3A_112 = arith.constant 15 : i32
      %rev3A_113 = vector.broadcast %rev3A_112 : i32 to vector<16xi32>
      %rev3A_114 = tpu.iota {dimensions = array<i32: 0>} : vector<16xi32>
      %rev3A_115 = arith.subi %rev3A_113, %rev3A_114 : vector<16xi32>
      %rev3A_116 = tpu.dynamic_gather %get3A_111[%rev3A_115] in [0] : vector<16xf32>, vector<16xi32> -> vector<16xf32>
      %eq3A_117 = arith.constant 3 : i32
      %eq3A_118 = vector.broadcast %eq3A_117 : i32 to vector<16xi32>
      %eq3A_119 = arith.cmpi eq, %iota3A, %eq3A_118 : vector<16xi32>
      %select_n3A_120 = arith.select %eq3A_119, %rev3A_116, %select_n3A_104 : vector<16xi1>, vector<16xf32>
      %select_n3A_121 = arith.select %eq3A_119, %get3A_111, %select_n3A_105 : vector<16xi1>, vector<16xf32>
      %add3A_122 = arith.constant 200 : i32
      %add3A_123 = arith.addi %add3A_58, %add3A_122 : i32
      %get3A_124 = arith.index_cast %add3A_123 : i32 to index
      %get3A_125 = arith.constant 0 : index
      %get3A_126 = tpu.vector_load %arg6[%get3A_124, %get3A_125] {strides = array<i32>} : memref<6400x16xf32, #tpu.memory_space<vmem>>, vector<1x16xf32>,
      %get3A_127 = vector.shape_cast %get3A_126 : vector<1x16xf32> to vector<16xf32>
      %rev3A_128 = arith.constant 15 : i32
      %rev3A_129 = vector.broadcast %rev3A_128 : i32 to vector<16xi32>
      %rev3A_130 = tpu.iota {dimensions = array<i32: 0>} : vector<16xi32>
      %rev3A_131 = arith.subi %rev3A_129, %rev3A_130 : vector<16xi32>
      %rev3A_132 = tpu.dynamic_gather %get3A_127[%rev3A_131] in [0] : vector<16xf32>, vector<16xi32> -> vector<16xf32>
      %eq3A_133 = arith.constant 4 : i32
      %eq3A_134 = vector.broadcast %eq3A_133 : i32 to vector<16xi32>
      %eq3A_135 = arith.cmpi eq, %iota3A, %eq3A_134 : vector<16xi32>
      %select_n3A_136 = arith.select %eq3A_135, %get3A_127, %select_n3A_120 : vector<16xi1>, vector<16xf32>
      %select_n3A_137 = arith.select %eq3A_135, %rev3A_132, %select_n3A_121 : vector<16xi1>, vector<16xf32>
      %add3A_138 = arith.constant 250 : i32
      %add3A_139 = arith.addi %add3A_58, %add3A_138 : i32
      %get3A_140 = arith.index_cast %add3A_139 : i32 to index
      %get3A_141 = arith.constant 0 : index
      %get3A_142 = tpu.vector_load %arg6[%get3A_140, %get3A_141] {strides = array<i32>} : memref<6400x16xf32, #tpu.memory_space<vmem>>, vector<1x16xf32>,
      %get3A_143 = vector.shape_cast %get3A_142 : vector<1x16xf32> to vector<16xf32>
      %rev3A_144 = arith.constant 15 : i32
      %rev3A_145 = vector.broadcast %rev3A_144 : i32 to vector<16xi32>
      %rev3A_146 = tpu.iota {dimensions = array<i32: 0>} : vector<16xi32>
      %rev3A_147 = arith.subi %rev3A_145, %rev3A_146 : vector<16xi32>
      %rev3A_148 = tpu.dynamic_gather %get3A_143[%rev3A_147] in [0] : vector<16xf32>, vector<16xi32> -> vector<16xf32>
      %eq3A_149 = arith.constant 5 : i32
      %eq3A_150 = vector.broadcast %eq3A_149 : i32 to vector<16xi32>
      %eq3A_151 = arith.cmpi eq, %iota3A, %eq3A_150 : vector<16xi32>
      %select_n3A_152 = arith.select %eq3A_151, %rev3A_148, %select_n3A_136 : vector<16xi1>, vector<16xf32>
      %select_n3A_153 = arith.select %eq3A_151, %get3A_143, %select_n3A_137 : vector<16xi1>, vector<16xf32>
      %add3A_154 = arith.constant 300 : i32
      %add3A_155 = arith.addi %add3A_58, %add3A_154 : i32
      %get3A_156 = arith.index_cast %add3A_155 : i32 to index
      %get3A_157 = arith.constant 0 : index
      %get3A_158 = tpu.vector_load %arg6[%get3A_156, %get3A_157] {strides = array<i32>} : memref<6400x16xf32, #tpu.memory_space<vmem>>, vector<1x16xf32>,
      %get3A_159 = vector.shape_cast %get3A_158 : vector<1x16xf32> to vector<16xf32>
      %rev3A_160 = arith.constant 15 : i32
      %rev3A_161 = vector.broadcast %rev3A_160 : i32 to vector<16xi32>
      %rev3A_162 = tpu.iota {dimensions = array<i32: 0>} : vector<16xi32>
      %rev3A_163 = arith.subi %rev3A_161, %rev3A_162 : vector<16xi32>
      %rev3A_164 = tpu.dynamic_gather %get3A_159[%rev3A_163] in [0] : vector<16xf32>, vector<16xi32> -> vector<16xf32>
      %eq3A_165 = arith.constant 6 : i32
      %eq3A_166 = vector.broadcast %eq3A_165 : i32 to vector<16xi32>
      %eq3A_167 = arith.cmpi eq, %iota3A, %eq3A_166 : vector<16xi32>
      %select_n3A_168 = arith.select %eq3A_167, %get3A_159, %select_n3A_152 : vector<16xi1>, vector<16xf32>
      %select_n3A_169 = arith.select %eq3A_167, %rev3A_164, %select_n3A_153 : vector<16xi1>, vector<16xf32>
      %add3A_170 = arith.constant 350 : i32
      %add3A_171 = arith.addi %add3A_58, %add3A_170 : i32
      %get3A_172 = arith.index_cast %add3A_171 : i32 to index
      %get3A_173 = arith.constant 0 : index
      %get3A_174 = tpu.vector_load %arg6[%get3A_172, %get3A_173] {strides = array<i32>} : memref<6400x16xf32, #tpu.memory_space<vmem>>, vector<1x16xf32>,
      %get3A_175 = vector.shape_cast %get3A_174 : vector<1x16xf32> to vector<16xf32>
      %rev3A_176 = arith.constant 15 : i32
      %rev3A_177 = vector.broadcast %rev3A_176 : i32 to vector<16xi32>
      %rev3A_178 = tpu.iota {dimensions = array<i32: 0>} : vector<16xi32>
      %rev3A_179 = arith.subi %rev3A_177, %rev3A_178 : vector<16xi32>
      %rev3A_180 = tpu.dynamic_gather %get3A_175[%rev3A_179] in [0] : vector<16xf32>, vector<16xi32> -> vector<16xf32>
      %eq3A_181 = arith.constant 7 : i32
      %eq3A_182 = vector.broadcast %eq3A_181 : i32 to vector<16xi32>
      %eq3A_183 = arith.cmpi eq, %iota3A, %eq3A_182 : vector<16xi32>
      %select_n3A_184 = arith.select %eq3A_183, %rev3A_180, %select_n3A_168 : vector<16xi1>, vector<16xf32>
      %select_n3A_185 = arith.select %eq3A_183, %get3A_175, %select_n3A_169 : vector<16xi1>, vector<16xf32>
      %add3A_186 = arith.constant 400 : i32
      %add3A_187 = arith.addi %add3A_58, %add3A_186 : i32
      %get3A_188 = arith.index_cast %add3A_187 : i32 to index
      %get3A_189 = arith.constant 0 : index
      %get3A_190 = tpu.vector_load %arg6[%get3A_188, %get3A_189] {strides = array<i32>} : memref<6400x16xf32, #tpu.memory_space<vmem>>, vector<1x16xf32>,
      %get3A_191 = vector.shape_cast %get3A_190 : vector<1x16xf32> to vector<16xf32>
      %rev3A_192 = arith.constant 15 : i32
      %rev3A_193 = vector.broadcast %rev3A_192 : i32 to vector<16xi32>
      %rev3A_194 = tpu.iota {dimensions = array<i32: 0>} : vector<16xi32>
      %rev3A_195 = arith.subi %rev3A_193, %rev3A_194 : vector<16xi32>
      %rev3A_196 = tpu.dynamic_gather %get3A_191[%rev3A_195] in [0] : vector<16xf32>, vector<16xi32> -> vector<16xf32>
      %eq3A_197 = arith.constant 8 : i32
      %eq3A_198 = vector.broadcast %eq3A_197 : i32 to vector<16xi32>
      %eq3A_199 = arith.cmpi eq, %iota3A, %eq3A_198 : vector<16xi32>
      %select_n3A_200 = arith.select %eq3A_199, %get3A_191, %select_n3A_184 : vector<16xi1>, vector<16xf32>
      %select_n3A_201 = arith.select %eq3A_199, %rev3A_196, %select_n3A_185 : vector<16xi1>, vector<16xf32>
      %add3A_202 = arith.constant 450 : i32
      %add3A_203 = arith.addi %add3A_58, %add3A_202 : i32
      %get3A_204 = arith.index_cast %add3A_203 : i32 to index
      %get3A_205 = arith.constant 0 : index
      %get3A_206 = tpu.vector_load %arg6[%get3A_204, %get3A_205] {strides = array<i32>} : memref<6400x16xf32, #tpu.memory_space<vmem>>, vector<1x16xf32>,
      %get3A_207 = vector.shape_cast %get3A_206 : vector<1x16xf32> to vector<16xf32>
      %rev3A_208 = arith.constant 15 : i32
      %rev3A_209 = vector.broadcast %rev3A_208 : i32 to vector<16xi32>
      %rev3A_210 = tpu.iota {dimensions = array<i32: 0>} : vector<16xi32>
      %rev3A_211 = arith.subi %rev3A_209, %rev3A_210 : vector<16xi32>
      %rev3A_212 = tpu.dynamic_gather %get3A_207[%rev3A_211] in [0] : vector<16xf32>, vector<16xi32> -> vector<16xf32>
      %eq3A_213 = arith.constant 9 : i32
      %eq3A_214 = vector.broadcast %eq3A_213 : i32 to vector<16xi32>
      %eq3A_215 = arith.cmpi eq, %iota3A, %eq3A_214 : vector<16xi32>
      %select_n3A_216 = arith.select %eq3A_215, %rev3A_212, %select_n3A_200 : vector<16xi1>, vector<16xf32>
      %select_n3A_217 = arith.select %eq3A_215, %get3A_207, %select_n3A_201 : vector<16xi1>, vector<16xf32>
      %add3A_218 = arith.constant 500 : i32
      %add3A_219 = arith.addi %add3A_58, %add3A_218 : i32
      %get3A_220 = arith.index_cast %add3A_219 : i32 to index
      %get3A_221 = arith.constant 0 : index
      %get3A_222 = tpu.vector_load %arg6[%get3A_220, %get3A_221] {strides = array<i32>} : memref<6400x16xf32, #tpu.memory_space<vmem>>, vector<1x16xf32>,
      %get3A_223 = vector.shape_cast %get3A_222 : vector<1x16xf32> to vector<16xf32>
      %rev3A_224 = arith.constant 15 : i32
      %rev3A_225 = vector.broadcast %rev3A_224 : i32 to vector<16xi32>
      %rev3A_226 = tpu.iota {dimensions = array<i32: 0>} : vector<16xi32>
      %rev3A_227 = arith.subi %rev3A_225, %rev3A_226 : vector<16xi32>
      %rev3A_228 = tpu.dynamic_gather %get3A_223[%rev3A_227] in [0] : vector<16xf32>, vector<16xi32> -> vector<16xf32>
      %eq3A_229 = arith.constant 10 : i32
      %eq3A_230 = vector.broadcast %eq3A_229 : i32 to vector<16xi32>
      %eq3A_231 = arith.cmpi eq, %iota3A, %eq3A_230 : vector<16xi32>
      %select_n3A_232 = arith.select %eq3A_231, %get3A_223, %select_n3A_216 : vector<16xi1>, vector<16xf32>
      %select_n3A_233 = arith.select %eq3A_231, %rev3A_228, %select_n3A_217 : vector<16xi1>, vector<16xf32>
      %add3A_234 = arith.constant 550 : i32
      %add3A_235 = arith.addi %add3A_58, %add3A_234 : i32
      %get3A_236 = arith.index_cast %add3A_235 : i32 to index
      %get3A_237 = arith.constant 0 : index
      %get3A_238 = tpu.vector_load %arg6[%get3A_236, %get3A_237] {strides = array<i32>} : memref<6400x16xf32, #tpu.memory_space<vmem>>, vector<1x16xf32>,
      %get3A_239 = vector.shape_cast %get3A_238 : vector<1x16xf32> to vector<16xf32>
      %rev3A_240 = arith.constant 15 : i32
      %rev3A_241 = vector.broadcast %rev3A_240 : i32 to vector<16xi32>
      %rev3A_242 = tpu.iota {dimensions = array<i32: 0>} : vector<16xi32>
      %rev3A_243 = arith.subi %rev3A_241, %rev3A_242 : vector<16xi32>
      %rev3A_244 = tpu.dynamic_gather %get3A_239[%rev3A_243] in [0] : vector<16xf32>, vector<16xi32> -> vector<16xf32>
      %eq3A_245 = arith.constant 11 : i32
      %eq3A_246 = vector.broadcast %eq3A_245 : i32 to vector<16xi32>
      %eq3A_247 = arith.cmpi eq, %iota3A, %eq3A_246 : vector<16xi32>
      %select_n3A_248 = arith.select %eq3A_247, %rev3A_244, %select_n3A_232 : vector<16xi1>, vector<16xf32>
      %select_n3A_249 = arith.select %eq3A_247, %get3A_239, %select_n3A_233 : vector<16xi1>, vector<16xf32>
      %add3A_250 = arith.constant 600 : i32
      %add3A_251 = arith.addi %add3A_58, %add3A_250 : i32
      %get3A_252 = arith.index_cast %add3A_251 : i32 to index
      %get3A_253 = arith.constant 0 : index
      %get3A_254 = tpu.vector_load %arg6[%get3A_252, %get3A_253] {strides = array<i32>} : memref<6400x16xf32, #tpu.memory_space<vmem>>, vector<1x16xf32>,
      %get3A_255 = vector.shape_cast %get3A_254 : vector<1x16xf32> to vector<16xf32>
      %rev3A_256 = arith.constant 15 : i32
      %rev3A_257 = vector.broadcast %rev3A_256 : i32 to vector<16xi32>
      %rev3A_258 = tpu.iota {dimensions = array<i32: 0>} : vector<16xi32>
      %rev3A_259 = arith.subi %rev3A_257, %rev3A_258 : vector<16xi32>
      %rev3A_260 = tpu.dynamic_gather %get3A_255[%rev3A_259] in [0] : vector<16xf32>, vector<16xi32> -> vector<16xf32>
      %eq3A_261 = arith.constant 12 : i32
      %eq3A_262 = vector.broadcast %eq3A_261 : i32 to vector<16xi32>
      %eq3A_263 = arith.cmpi eq, %iota3A, %eq3A_262 : vector<16xi32>
      %select_n3A_264 = arith.select %eq3A_263, %get3A_255, %select_n3A_248 : vector<16xi1>, vector<16xf32>
      %select_n3A_265 = arith.select %eq3A_263, %rev3A_260, %select_n3A_249 : vector<16xi1>, vector<16xf32>
      %add3A_266 = arith.constant 650 : i32
      %add3A_267 = arith.addi %add3A_58, %add3A_266 : i32
      %get3A_268 = arith.index_cast %add3A_267 : i32 to index
      %get3A_269 = arith.constant 0 : index
      %get3A_270 = tpu.vector_load %arg6[%get3A_268, %get3A_269] {strides = array<i32>} : memref<6400x16xf32, #tpu.memory_space<vmem>>, vector<1x16xf32>,
      %get3A_271 = vector.shape_cast %get3A_270 : vector<1x16xf32> to vector<16xf32>
      %rev3A_272 = arith.constant 15 : i32
      %rev3A_273 = vector.broadcast %rev3A_272 : i32 to vector<16xi32>
      %rev3A_274 = tpu.iota {dimensions = array<i32: 0>} : vector<16xi32>
      %rev3A_275 = arith.subi %rev3A_273, %rev3A_274 : vector<16xi32>
      %rev3A_276 = tpu.dynamic_gather %get3A_271[%rev3A_275] in [0] : vector<16xf32>, vector<16xi32> -> vector<16xf32>
      %eq3A_277 = arith.constant 13 : i32
      %eq3A_278 = vector.broadcast %eq3A_277 : i32 to vector<16xi32>
      %eq3A_279 = arith.cmpi eq, %iota3A, %eq3A_278 : vector<16xi32>
      %select_n3A_280 = arith.select %eq3A_279, %rev3A_276, %select_n3A_264 : vector<16xi1>, vector<16xf32>
      %select_n3A_281 = arith.select %eq3A_279, %get3A_271, %select_n3A_265 : vector<16xi1>, vector<16xf32>
      %add3A_282 = arith.constant 700 : i32
      %add3A_283 = arith.addi %add3A_58, %add3A_282 : i32
      %get3A_284 = arith.index_cast %add3A_283 : i32 to index
      %get3A_285 = arith.constant 0 : index
      %get3A_286 = tpu.vector_load %arg6[%get3A_284, %get3A_285] {strides = array<i32>} : memref<6400x16xf32, #tpu.memory_space<vmem>>, vector<1x16xf32>,
      %get3A_287 = vector.shape_cast %get3A_286 : vector<1x16xf32> to vector<16xf32>
      %rev3A_288 = arith.constant 15 : i32
      %rev3A_289 = vector.broadcast %rev3A_288 : i32 to vector<16xi32>
      %rev3A_290 = tpu.iota {dimensions = array<i32: 0>} : vector<16xi32>
      %rev3A_291 = arith.subi %rev3A_289, %rev3A_290 : vector<16xi32>
      %rev3A_292 = tpu.dynamic_gather %get3A_287[%rev3A_291] in [0] : vector<16xf32>, vector<16xi32> -> vector<16xf32>
      %eq3A_293 = arith.constant 14 : i32
      %eq3A_294 = vector.broadcast %eq3A_293 : i32 to vector<16xi32>
      %eq3A_295 = arith.cmpi eq, %iota3A, %eq3A_294 : vector<16xi32>
      %select_n3A_296 = arith.select %eq3A_295, %get3A_287, %select_n3A_280 : vector<16xi1>, vector<16xf32>
      %select_n3A_297 = arith.select %eq3A_295, %rev3A_292, %select_n3A_281 : vector<16xi1>, vector<16xf32>
      %add3A_298 = arith.constant 750 : i32
      %add3A_299 = arith.addi %add3A_58, %add3A_298 : i32
      %get3A_300 = arith.index_cast %add3A_299 : i32 to index
      %get3A_301 = arith.constant 0 : index
      %get3A_302 = tpu.vector_load %arg6[%get3A_300, %get3A_301] {strides = array<i32>} : memref<6400x16xf32, #tpu.memory_space<vmem>>, vector<1x16xf32>,
      %get3A_303 = vector.shape_cast %get3A_302 : vector<1x16xf32> to vector<16xf32>
      %rev3A_304 = arith.constant 15 : i32
      %rev3A_305 = vector.broadcast %rev3A_304 : i32 to vector<16xi32>
      %rev3A_306 = tpu.iota {dimensions = array<i32: 0>} : vector<16xi32>
      %rev3A_307 = arith.subi %rev3A_305, %rev3A_306 : vector<16xi32>
      %rev3A_308 = tpu.dynamic_gather %get3A_303[%rev3A_307] in [0] : vector<16xf32>, vector<16xi32> -> vector<16xf32>
      %eq3A_309 = arith.constant 15 : i32
      %eq3A_310 = vector.broadcast %eq3A_309 : i32 to vector<16xi32>
      %eq3A_311 = arith.cmpi eq, %iota3A, %eq3A_310 : vector<16xi32>
      %select_n3A_312 = arith.select %eq3A_311, %rev3A_308, %select_n3A_296 : vector<16xi1>, vector<16xf32>
      %select_n3A_313 = arith.select %eq3A_311, %get3A_303, %select_n3A_297 : vector<16xi1>, vector<16xf32>
      %mul3A_314 = arith.constant 16 : i32
      %mul3A_315 = arith.muli %mul3A_314, %add3A_55 : i32
      %swap3A = arith.index_cast %shift_right_logical3A_53 : i32 to index
      %swap3A_316 = arith.index_cast %mul3A_315 : i32 to index
      %swap3A_317 = tpu.vector_load %arg7[%swap3A, %swap3A_316] {strides = array<i32>} : memref<50x256xf32, #tpu.memory_space<vmem>>, vector<1x16xf32>,
      %swap3A_318 = vector.shape_cast %swap3A_317 : vector<1x16xf32> to vector<16xf32>
      %swap3A_319 = vector.shape_cast %select_n3A_312 : vector<16xf32> to vector<1x16xf32>
      tpu.vector_store %arg7[%swap3A, %swap3A_316], %swap3A_319 {strides = array<i32>} : memref<50x256xf32, #tpu.memory_space<vmem>>, vector<1x16xf32>,
      %mul3A_320 = arith.constant 16 : i32
      %mul3A_321 = arith.muli %mul3A_320, %add3A_55 : i32
      %add3A_322 = arith.constant 128 : i32
      %add3A_323 = arith.addi %add3A_322, %mul3A_321 : i32
      %swap3A_324 = arith.index_cast %shift_right_logical3A_53 : i32 to index
      %swap3A_325 = arith.index_cast %add3A_323 : i32 to index
      %swap3A_326 = tpu.vector_load %arg7[%swap3A_324, %swap3A_325] {strides = array<i32>} : memref<50x256xf32, #tpu.memory_space<vmem>>, vector<1x16xf32>,
      %swap3A_327 = vector.shape_cast %swap3A_326 : vector<1x16xf32> to vector<16xf32>
      %swap3A_328 = vector.shape_cast %select_n3A_313 : vector<16xf32> to vector<1x16xf32>
      tpu.vector_store %arg7[%swap3A_324, %swap3A_325], %swap3A_328 {strides = array<i32>} : memref<50x256xf32, #tpu.memory_space<vmem>>, vector<1x16xf32>,
      %scan3A_329 = arith.constant 1 : i32
      %scan3A_330 = arith.addi %scan3A_52, %scan3A_329 : i32
      %shift_right_logical3A_331 = arith.constant 2 : i32
      %shift_right_logical3A_332 = arith.shrui %scan3A_330, %shift_right_logical3A_331 : i32
      %and3A_333 = arith.constant 3 : i32
      %and3A_334 = arith.andi %scan3A_330, %and3A_333 : i32
      %add3A_335 = arith.addi %and3A_334, %scan3A_30 : i32
      %mul3A_336 = arith.constant 800 : i32
      %mul3A_337 = arith.muli %mul3A_336, %add3A_335 : i32
      %add3A_338 = arith.addi %mul3A_337, %shift_right_logical3A_332 : i32
      %broadcast_in_dim3A_339 = arith.constant 0.000000e+00 : f32
      %broadcast_in_dim3A_340 = vector.broadcast %broadcast_in_dim3A_339 : f32 to vector<16xf32>
      %broadcast_in_dim3A_341 = arith.constant 0.000000e+00 : f32
      %broadcast_in_dim3A_342 = vector.broadcast %broadcast_in_dim3A_341 : f32 to vector<16xf32>
      %add3A_343 = arith.constant 0 : i32
      %add3A_344 = arith.addi %add3A_338, %add3A_343 : i32
      %get3A_345 = arith.index_cast %add3A_344 : i32 to index
      %get3A_346 = arith.constant 0 : index
      %get3A_347 = tpu.vector_load %arg6[%get3A_345, %get3A_346] {strides = array<i32>} : memref<6400x16xf32, #tpu.memory_space<vmem>>, vector<1x16xf32>,
      %get3A_348 = vector.shape_cast %get3A_347 : vector<1x16xf32> to vector<16xf32>
      %rev3A_349 = arith.constant 15 : i32
      %rev3A_350 = vector.broadcast %rev3A_349 : i32 to vector<16xi32>
      %rev3A_351 = tpu.iota {dimensions = array<i32: 0>} : vector<16xi32>
      %rev3A_352 = arith.subi %rev3A_350, %rev3A_351 : vector<16xi32>
      %rev3A_353 = tpu.dynamic_gather %get3A_348[%rev3A_352] in [0] : vector<16xf32>, vector<16xi32> -> vector<16xf32>
      %eq3A_354 = arith.constant 0 : i32
      %eq3A_355 = vector.broadcast %eq3A_354 : i32 to vector<16xi32>
      %eq3A_356 = arith.cmpi eq, %iota3A, %eq3A_355 : vector<16xi32>
      %select_n3A_357 = arith.select %eq3A_356, %get3A_348, %broadcast_in_dim3A_340 : vector<16xi1>, vector<16xf32>
      %select_n3A_358 = arith.select %eq3A_356, %rev3A_353, %broadcast_in_dim3A_342 : vector<16xi1>, vector<16xf32>
      %add3A_359 = arith.constant 50 : i32
      %add3A_360 = arith.addi %add3A_338, %add3A_359 : i32
      %get3A_361 = arith.index_cast %add3A_360 : i32 to index
      %get3A_362 = arith.constant 0 : index
      %get3A_363 = tpu.vector_load %arg6[%get3A_361, %get3A_362] {strides = array<i32>} : memref<6400x16xf32, #tpu.memory_space<vmem>>, vector<1x16xf32>,
      %get3A_364 = vector.shape_cast %get3A_363 : vector<1x16xf32> to vector<16xf32>
      %rev3A_365 = arith.constant 15 : i32
      %rev3A_366 = vector.broadcast %rev3A_365 : i32 to vector<16xi32>
      %rev3A_367 = tpu.iota {dimensions = array<i32: 0>} : vector<16xi32>
      %rev3A_368 = arith.subi %rev3A_366, %rev3A_367 : vector<16xi32>
      %rev3A_369 = tpu.dynamic_gather %get3A_364[%rev3A_368] in [0] : vector<16xf32>, vector<16xi32> -> vector<16xf32>
      %eq3A_370 = arith.constant 1 : i32
      %eq3A_371 = vector.broadcast %eq3A_370 : i32 to vector<16xi32>
      %eq3A_372 = arith.cmpi eq, %iota3A, %eq3A_371 : vector<16xi32>
      %select_n3A_373 = arith.select %eq3A_372, %rev3A_369, %select_n3A_357 : vector<16xi1>, vector<16xf32>
      %select_n3A_374 = arith.select %eq3A_372, %get3A_364, %select_n3A_358 : vector<16xi1>, vector<16xf32>
      %add3A_375 = arith.constant 100 : i32
      %add3A_376 = arith.addi %add3A_338, %add3A_375 : i32
      %get3A_377 = arith.index_cast %add3A_376 : i32 to index
      %get3A_378 = arith.constant 0 : index
      %get3A_379 = tpu.vector_load %arg6[%get3A_377, %get3A_378] {strides = array<i32>} : memref<6400x16xf32, #tpu.memory_space<vmem>>, vector<1x16xf32>,
      %get3A_380 = vector.shape_cast %get3A_379 : vector<1x16xf32> to vector<16xf32>
      %rev3A_381 = arith.constant 15 : i32
      %rev3A_382 = vector.broadcast %rev3A_381 : i32 to vector<16xi32>
      %rev3A_383 = tpu.iota {dimensions = array<i32: 0>} : vector<16xi32>
      %rev3A_384 = arith.subi %rev3A_382, %rev3A_383 : vector<16xi32>
      %rev3A_385 = tpu.dynamic_gather %get3A_380[%rev3A_384] in [0] : vector<16xf32>, vector<16xi32> -> vector<16xf32>
      %eq3A_386 = arith.constant 2 : i32
      %eq3A_387 = vector.broadcast %eq3A_386 : i32 to vector<16xi32>
      %eq3A_388 = arith.cmpi eq, %iota3A, %eq3A_387 : vector<16xi32>
      %select_n3A_389 = arith.select %eq3A_388, %get3A_380, %select_n3A_373 : vector<16xi1>, vector<16xf32>
      %select_n3A_390 = arith.select %eq3A_388, %rev3A_385, %select_n3A_374 : vector<16xi1>, vector<16xf32>
      %add3A_391 = arith.constant 150 : i32
      %add3A_392 = arith.addi %add3A_338, %add3A_391 : i32
      %get3A_393 = arith.index_cast %add3A_392 : i32 to index
      %get3A_394 = arith.constant 0 : index
      %get3A_395 = tpu.vector_load %arg6[%get3A_393, %get3A_394] {strides = array<i32>} : memref<6400x16xf32, #tpu.memory_space<vmem>>, vector<1x16xf32>,
      %get3A_396 = vector.shape_cast %get3A_395 : vector<1x16xf32> to vector<16xf32>
      %rev3A_397 = arith.constant 15 : i32
      %rev3A_398 = vector.broadcast %rev3A_397 : i32 to vector<16xi32>
      %rev3A_399 = tpu.iota {dimensions = array<i32: 0>} : vector<16xi32>
      %rev3A_400 = arith.subi %rev3A_398, %rev3A_399 : vector<16xi32>
      %rev3A_401 = tpu.dynamic_gather %get3A_396[%rev3A_400] in [0] : vector<16xf32>, vector<16xi32> -> vector<16xf32>
      %eq3A_402 = arith.constant 3 : i32
      %eq3A_403 = vector.broadcast %eq3A_402 : i32 to vector<16xi32>
      %eq3A_404 = arith.cmpi eq, %iota3A, %eq3A_403 : vector<16xi32>
      %select_n3A_405 = arith.select %eq3A_404, %rev3A_401, %select_n3A_389 : vector<16xi1>, vector<16xf32>
      %select_n3A_406 = arith.select %eq3A_404, %get3A_396, %select_n3A_390 : vector<16xi1>, vector<16xf32>
      %add3A_407 = arith.constant 200 : i32
      %add3A_408 = arith.addi %add3A_338, %add3A_407 : i32
      %get3A_409 = arith.index_cast %add3A_408 : i32 to index
      %get3A_410 = arith.constant 0 : index
      %get3A_411 = tpu.vector_load %arg6[%get3A_409, %get3A_410] {strides = array<i32>} : memref<6400x16xf32, #tpu.memory_space<vmem>>, vector<1x16xf32>,
      %get3A_412 = vector.shape_cast %get3A_411 : vector<1x16xf32> to vector<16xf32>
      %rev3A_413 = arith.constant 15 : i32
      %rev3A_414 = vector.broadcast %rev3A_413 : i32 to vector<16xi32>
      %rev3A_415 = tpu.iota {dimensions = array<i32: 0>} : vector<16xi32>
      %rev3A_416 = arith.subi %rev3A_414, %rev3A_415 : vector<16xi32>
      %rev3A_417 = tpu.dynamic_gather %get3A_412[%rev3A_416] in [0] : vector<16xf32>, vector<16xi32> -> vector<16xf32>
      %eq3A_418 = arith.constant 4 : i32
      %eq3A_419 = vector.broadcast %eq3A_418 : i32 to vector<16xi32>
      %eq3A_420 = arith.cmpi eq, %iota3A, %eq3A_419 : vector<16xi32>
      %select_n3A_421 = arith.select %eq3A_420, %get3A_412, %select_n3A_405 : vector<16xi1>, vector<16xf32>
      %select_n3A_422 = arith.select %eq3A_420, %rev3A_417, %select_n3A_406 : vector<16xi1>, vector<16xf32>
      %add3A_423 = arith.constant 250 : i32
      %add3A_424 = arith.addi %add3A_338, %add3A_423 : i32
      %get3A_425 = arith.index_cast %add3A_424 : i32 to index
      %get3A_426 = arith.constant 0 : index
      %get3A_427 = tpu.vector_load %arg6[%get3A_425, %get3A_426] {strides = array<i32>} : memref<6400x16xf32, #tpu.memory_space<vmem>>, vector<1x16xf32>,
      %get3A_428 = vector.shape_cast %get3A_427 : vector<1x16xf32> to vector<16xf32>
      %rev3A_429 = arith.constant 15 : i32
      %rev3A_430 = vector.broadcast %rev3A_429 : i32 to vector<16xi32>
      %rev3A_431 = tpu.iota {dimensions = array<i32: 0>} : vector<16xi32>
      %rev3A_432 = arith.subi %rev3A_430, %rev3A_431 : vector<16xi32>
      %rev3A_433 = tpu.dynamic_gather %get3A_428[%rev3A_432] in [0] : vector<16xf32>, vector<16xi32> -> vector<16xf32>
      %eq3A_434 = arith.constant 5 : i32
      %eq3A_435 = vector.broadcast %eq3A_434 : i32 to vector<16xi32>
      %eq3A_436 = arith.cmpi eq, %iota3A, %eq3A_435 : vector<16xi32>
      %select_n3A_437 = arith.select %eq3A_436, %rev3A_433, %select_n3A_421 : vector<16xi1>, vector<16xf32>
      %select_n3A_438 = arith.select %eq3A_436, %get3A_428, %select_n3A_422 : vector<16xi1>, vector<16xf32>
      %add3A_439 = arith.constant 300 : i32
      %add3A_440 = arith.addi %add3A_338, %add3A_439 : i32
      %get3A_441 = arith.index_cast %add3A_440 : i32 to index
      %get3A_442 = arith.constant 0 : index
      %get3A_443 = tpu.vector_load %arg6[%get3A_441, %get3A_442] {strides = array<i32>} : memref<6400x16xf32, #tpu.memory_space<vmem>>, vector<1x16xf32>,
      %get3A_444 = vector.shape_cast %get3A_443 : vector<1x16xf32> to vector<16xf32>
      %rev3A_445 = arith.constant 15 : i32
      %rev3A_446 = vector.broadcast %rev3A_445 : i32 to vector<16xi32>
      %rev3A_447 = tpu.iota {dimensions = array<i32: 0>} : vector<16xi32>
      %rev3A_448 = arith.subi %rev3A_446, %rev3A_447 : vector<16xi32>
      %rev3A_449 = tpu.dynamic_gather %get3A_444[%rev3A_448] in [0] : vector<16xf32>, vector<16xi32> -> vector<16xf32>
      %eq3A_450 = arith.constant 6 : i32
      %eq3A_451 = vector.broadcast %eq3A_450 : i32 to vector<16xi32>
      %eq3A_452 = arith.cmpi eq, %iota3A, %eq3A_451 : vector<16xi32>
      %select_n3A_453 = arith.select %eq3A_452, %get3A_444, %select_n3A_437 : vector<16xi1>, vector<16xf32>
      %select_n3A_454 = arith.select %eq3A_452, %rev3A_449, %select_n3A_438 : vector<16xi1>, vector<16xf32>
      %add3A_455 = arith.constant 350 : i32
      %add3A_456 = arith.addi %add3A_338, %add3A_455 : i32
      %get3A_457 = arith.index_cast %add3A_456 : i32 to index
      %get3A_458 = arith.constant 0 : index
      %get3A_459 = tpu.vector_load %arg6[%get3A_457, %get3A_458] {strides = array<i32>} : memref<6400x16xf32, #tpu.memory_space<vmem>>, vector<1x16xf32>,
      %get3A_460 = vector.shape_cast %get3A_459 : vector<1x16xf32> to vector<16xf32>
      %rev3A_461 = arith.constant 15 : i32
      %rev3A_462 = vector.broadcast %rev3A_461 : i32 to vector<16xi32>
      %rev3A_463 = tpu.iota {dimensions = array<i32: 0>} : vector<16xi32>
      %rev3A_464 = arith.subi %rev3A_462, %rev3A_463 : vector<16xi32>
      %rev3A_465 = tpu.dynamic_gather %get3A_460[%rev3A_464] in [0] : vector<16xf32>, vector<16xi32> -> vector<16xf32>
      %eq3A_466 = arith.constant 7 : i32
      %eq3A_467 = vector.broadcast %eq3A_466 : i32 to vector<16xi32>
      %eq3A_468 = arith.cmpi eq, %iota3A, %eq3A_467 : vector<16xi32>
      %select_n3A_469 = arith.select %eq3A_468, %rev3A_465, %select_n3A_453 : vector<16xi1>, vector<16xf32>
      %select_n3A_470 = arith.select %eq3A_468, %get3A_460, %select_n3A_454 : vector<16xi1>, vector<16xf32>
      %add3A_471 = arith.constant 400 : i32
      %add3A_472 = arith.addi %add3A_338, %add3A_471 : i32
      %get3A_473 = arith.index_cast %add3A_472 : i32 to index
      %get3A_474 = arith.constant 0 : index
      %get3A_475 = tpu.vector_load %arg6[%get3A_473, %get3A_474] {strides = array<i32>} : memref<6400x16xf32, #tpu.memory_space<vmem>>, vector<1x16xf32>,
      %get3A_476 = vector.shape_cast %get3A_475 : vector<1x16xf32> to vector<16xf32>
      %rev3A_477 = arith.constant 15 : i32
      %rev3A_478 = vector.broadcast %rev3A_477 : i32 to vector<16xi32>
      %rev3A_479 = tpu.iota {dimensions = array<i32: 0>} : vector<16xi32>
      %rev3A_480 = arith.subi %rev3A_478, %rev3A_479 : vector<16xi32>
      %rev3A_481 = tpu.dynamic_gather %get3A_476[%rev3A_480] in [0] : vector<16xf32>, vector<16xi32> -> vector<16xf32>
      %eq3A_482 = arith.constant 8 : i32
      %eq3A_483 = vector.broadcast %eq3A_482 : i32 to vector<16xi32>
      %eq3A_484 = arith.cmpi eq, %iota3A, %eq3A_483 : vector<16xi32>
      %select_n3A_485 = arith.select %eq3A_484, %get3A_476, %select_n3A_469 : vector<16xi1>, vector<16xf32>
      %select_n3A_486 = arith.select %eq3A_484, %rev3A_481, %select_n3A_470 : vector<16xi1>, vector<16xf32>
      %add3A_487 = arith.constant 450 : i32
      %add3A_488 = arith.addi %add3A_338, %add3A_487 : i32
      %get3A_489 = arith.index_cast %add3A_488 : i32 to index
      %get3A_490 = arith.constant 0 : index
      %get3A_491 = tpu.vector_load %arg6[%get3A_489, %get3A_490] {strides = array<i32>} : memref<6400x16xf32, #tpu.memory_space<vmem>>, vector<1x16xf32>,
      %get3A_492 = vector.shape_cast %get3A_491 : vector<1x16xf32> to vector<16xf32>
      %rev3A_493 = arith.constant 15 : i32
      %rev3A_494 = vector.broadcast %rev3A_493 : i32 to vector<16xi32>
      %rev3A_495 = tpu.iota {dimensions = array<i32: 0>} : vector<16xi32>
      %rev3A_496 = arith.subi %rev3A_494, %rev3A_495 : vector<16xi32>
      %rev3A_497 = tpu.dynamic_gather %get3A_492[%rev3A_496] in [0] : vector<16xf32>, vector<16xi32> -> vector<16xf32>
      %eq3A_498 = arith.constant 9 : i32
      %eq3A_499 = vector.broadcast %eq3A_498 : i32 to vector<16xi32>
      %eq3A_500 = arith.cmpi eq, %iota3A, %eq3A_499 : vector<16xi32>
      %select_n3A_501 = arith.select %eq3A_500, %rev3A_497, %select_n3A_485 : vector<16xi1>, vector<16xf32>
      %select_n3A_502 = arith.select %eq3A_500, %get3A_492, %select_n3A_486 : vector<16xi1>, vector<16xf32>
      %add3A_503 = arith.constant 500 : i32
      %add3A_504 = arith.addi %add3A_338, %add3A_503 : i32
      %get3A_505 = arith.index_cast %add3A_504 : i32 to index
      %get3A_506 = arith.constant 0 : index
      %get3A_507 = tpu.vector_load %arg6[%get3A_505, %get3A_506] {strides = array<i32>} : memref<6400x16xf32, #tpu.memory_space<vmem>>, vector<1x16xf32>,
      %get3A_508 = vector.shape_cast %get3A_507 : vector<1x16xf32> to vector<16xf32>
      %rev3A_509 = arith.constant 15 : i32
      %rev3A_510 = vector.broadcast %rev3A_509 : i32 to vector<16xi32>
      %rev3A_511 = tpu.iota {dimensions = array<i32: 0>} : vector<16xi32>
      %rev3A_512 = arith.subi %rev3A_510, %rev3A_511 : vector<16xi32>
      %rev3A_513 = tpu.dynamic_gather %get3A_508[%rev3A_512] in [0] : vector<16xf32>, vector<16xi32> -> vector<16xf32>
      %eq3A_514 = arith.constant 10 : i32
      %eq3A_515 = vector.broadcast %eq3A_514 : i32 to vector<16xi32>
      %eq3A_516 = arith.cmpi eq, %iota3A, %eq3A_515 : vector<16xi32>
      %select_n3A_517 = arith.select %eq3A_516, %get3A_508, %select_n3A_501 : vector<16xi1>, vector<16xf32>
      %select_n3A_518 = arith.select %eq3A_516, %rev3A_513, %select_n3A_502 : vector<16xi1>, vector<16xf32>
      %add3A_519 = arith.constant 550 : i32
      %add3A_520 = arith.addi %add3A_338, %add3A_519 : i32
      %get3A_521 = arith.index_cast %add3A_520 : i32 to index
      %get3A_522 = arith.constant 0 : index
      %get3A_523 = tpu.vector_load %arg6[%get3A_521, %get3A_522] {strides = array<i32>} : memref<6400x16xf32, #tpu.memory_space<vmem>>, vector<1x16xf32>,
      %get3A_524 = vector.shape_cast %get3A_523 : vector<1x16xf32> to vector<16xf32>
      %rev3A_525 = arith.constant 15 : i32
      %rev3A_526 = vector.broadcast %rev3A_525 : i32 to vector<16xi32>
      %rev3A_527 = tpu.iota {dimensions = array<i32: 0>} : vector<16xi32>
      %rev3A_528 = arith.subi %rev3A_526, %rev3A_527 : vector<16xi32>
      %rev3A_529 = tpu.dynamic_gather %get3A_524[%rev3A_528] in [0] : vector<16xf32>, vector<16xi32> -> vector<16xf32>
      %eq3A_530 = arith.constant 11 : i32
      %eq3A_531 = vector.broadcast %eq3A_530 : i32 to vector<16xi32>
      %eq3A_532 = arith.cmpi eq, %iota3A, %eq3A_531 : vector<16xi32>
      %select_n3A_533 = arith.select %eq3A_532, %rev3A_529, %select_n3A_517 : vector<16xi1>, vector<16xf32>
      %select_n3A_534 = arith.select %eq3A_532, %get3A_524, %select_n3A_518 : vector<16xi1>, vector<16xf32>
      %add3A_535 = arith.constant 600 : i32
      %add3A_536 = arith.addi %add3A_338, %add3A_535 : i32
      %get3A_537 = arith.index_cast %add3A_536 : i32 to index
      %get3A_538 = arith.constant 0 : index
      %get3A_539 = tpu.vector_load %arg6[%get3A_537, %get3A_538] {strides = array<i32>} : memref<6400x16xf32, #tpu.memory_space<vmem>>, vector<1x16xf32>,
      %get3A_540 = vector.shape_cast %get3A_539 : vector<1x16xf32> to vector<16xf32>
      %rev3A_541 = arith.constant 15 : i32
      %rev3A_542 = vector.broadcast %rev3A_541 : i32 to vector<16xi32>
      %rev3A_543 = tpu.iota {dimensions = array<i32: 0>} : vector<16xi32>
      %rev3A_544 = arith.subi %rev3A_542, %rev3A_543 : vector<16xi32>
      %rev3A_545 = tpu.dynamic_gather %get3A_540[%rev3A_544] in [0] : vector<16xf32>, vector<16xi32> -> vector<16xf32>
      %eq3A_546 = arith.constant 12 : i32
      %eq3A_547 = vector.broadcast %eq3A_546 : i32 to vector<16xi32>
      %eq3A_548 = arith.cmpi eq, %iota3A, %eq3A_547 : vector<16xi32>
      %select_n3A_549 = arith.select %eq3A_548, %get3A_540, %select_n3A_533 : vector<16xi1>, vector<16xf32>
      %select_n3A_550 = arith.select %eq3A_548, %rev3A_545, %select_n3A_534 : vector<16xi1>, vector<16xf32>
      %add3A_551 = arith.constant 650 : i32
      %add3A_552 = arith.addi %add3A_338, %add3A_551 : i32
      %get3A_553 = arith.index_cast %add3A_552 : i32 to index
      %get3A_554 = arith.constant 0 : index
      %get3A_555 = tpu.vector_load %arg6[%get3A_553, %get3A_554] {strides = array<i32>} : memref<6400x16xf32, #tpu.memory_space<vmem>>, vector<1x16xf32>,
      %get3A_556 = vector.shape_cast %get3A_555 : vector<1x16xf32> to vector<16xf32>
      %rev3A_557 = arith.constant 15 : i32
      %rev3A_558 = vector.broadcast %rev3A_557 : i32 to vector<16xi32>
      %rev3A_559 = tpu.iota {dimensions = array<i32: 0>} : vector<16xi32>
      %rev3A_560 = arith.subi %rev3A_558, %rev3A_559 : vector<16xi32>
      %rev3A_561 = tpu.dynamic_gather %get3A_556[%rev3A_560] in [0] : vector<16xf32>, vector<16xi32> -> vector<16xf32>
      %eq3A_562 = arith.constant 13 : i32
      %eq3A_563 = vector.broadcast %eq3A_562 : i32 to vector<16xi32>
      %eq3A_564 = arith.cmpi eq, %iota3A, %eq3A_563 : vector<16xi32>
      %select_n3A_565 = arith.select %eq3A_564, %rev3A_561, %select_n3A_549 : vector<16xi1>, vector<16xf32>
      %select_n3A_566 = arith.select %eq3A_564, %get3A_556, %select_n3A_550 : vector<16xi1>, vector<16xf32>
      %add3A_567 = arith.constant 700 : i32
      %add3A_568 = arith.addi %add3A_338, %add3A_567 : i32
      %get3A_569 = arith.index_cast %add3A_568 : i32 to index
      %get3A_570 = arith.constant 0 : index
      %get3A_571 = tpu.vector_load %arg6[%get3A_569, %get3A_570] {strides = array<i32>} : memref<6400x16xf32, #tpu.memory_space<vmem>>, vector<1x16xf32>,
      %get3A_572 = vector.shape_cast %get3A_571 : vector<1x16xf32> to vector<16xf32>
      %rev3A_573 = arith.constant 15 : i32
      %rev3A_574 = vector.broadcast %rev3A_573 : i32 to vector<16xi32>
      %rev3A_575 = tpu.iota {dimensions = array<i32: 0>} : vector<16xi32>
      %rev3A_576 = arith.subi %rev3A_574, %rev3A_575 : vector<16xi32>
      %rev3A_577 = tpu.dynamic_gather %get3A_572[%rev3A_576] in [0] : vector<16xf32>, vector<16xi32> -> vector<16xf32>
      %eq3A_578 = arith.constant 14 : i32
      %eq3A_579 = vector.broadcast %eq3A_578 : i32 to vector<16xi32>
      %eq3A_580 = arith.cmpi eq, %iota3A, %eq3A_579 : vector<16xi32>
      %select_n3A_581 = arith.select %eq3A_580, %get3A_572, %select_n3A_565 : vector<16xi1>, vector<16xf32>
      %select_n3A_582 = arith.select %eq3A_580, %rev3A_577, %select_n3A_566 : vector<16xi1>, vector<16xf32>
      %add3A_583 = arith.constant 750 : i32
      %add3A_584 = arith.addi %add3A_338, %add3A_583 : i32
      %get3A_585 = arith.index_cast %add3A_584 : i32 to index
      %get3A_586 = arith.constant 0 : index
      %get3A_587 = tpu.vector_load %arg6[%get3A_585, %get3A_586] {strides = array<i32>} : memref<6400x16xf32, #tpu.memory_space<vmem>>, vector<1x16xf32>,
      %get3A_588 = vector.shape_cast %get3A_587 : vector<1x16xf32> to vector<16xf32>
      %rev3A_589 = arith.constant 15 : i32
      %rev3A_590 = vector.broadcast %rev3A_589 : i32 to vector<16xi32>
      %rev3A_591 = tpu.iota {dimensions = array<i32: 0>} : vector<16xi32>
      %rev3A_592 = arith.subi %rev3A_590, %rev3A_591 : vector<16xi32>
      %rev3A_593 = tpu.dynamic_gather %get3A_588[%rev3A_592] in [0] : vector<16xf32>, vector<16xi32> -> vector<16xf32>
      %eq3A_594 = arith.constant 15 : i32
      %eq3A_595 = vector.broadcast %eq3A_594 : i32 to vector<16xi32>
      %eq3A_596 = arith.cmpi eq, %iota3A, %eq3A_595 : vector<16xi32>
      %select_n3A_597 = arith.select %eq3A_596, %rev3A_593, %select_n3A_581 : vector<16xi1>, vector<16xf32>
      %select_n3A_598 = arith.select %eq3A_596, %get3A_588, %select_n3A_582 : vector<16xi1>, vector<16xf32>
      %mul3A_599 = arith.constant 16 : i32
      %mul3A_600 = arith.muli %mul3A_599, %add3A_335 : i32
      %swap3A_601 = arith.index_cast %shift_right_logical3A_332 : i32 to index
      %swap3A_602 = arith.index_cast %mul3A_600 : i32 to index
      %swap3A_603 = tpu.vector_load %arg7[%swap3A_601, %swap3A_602] {strides = array<i32>} : memref<50x256xf32, #tpu.memory_space<vmem>>, vector<1x16xf32>,
      %swap3A_604 = vector.shape_cast %swap3A_603 : vector<1x16xf32> to vector<16xf32>
      %swap3A_605 = vector.shape_cast %select_n3A_597 : vector<16xf32> to vector<1x16xf32>
      tpu.vector_store %arg7[%swap3A_601, %swap3A_602], %swap3A_605 {strides = array<i32>} : memref<50x256xf32, #tpu.memory_space<vmem>>, vector<1x16xf32>,
      %mul3A_606 = arith.constant 16 : i32
      %mul3A_607 = arith.muli %mul3A_606, %add3A_335 : i32
      %add3A_608 = arith.constant 128 : i32
      %add3A_609 = arith.addi %add3A_608, %mul3A_607 : i32
      %swap3A_610 = arith.index_cast %shift_right_logical3A_332 : i32 to index
      %swap3A_611 = arith.index_cast %add3A_609 : i32 to index
      %swap3A_612 = tpu.vector_load %arg7[%swap3A_610, %swap3A_611] {strides = array<i32>} : memref<50x256xf32, #tpu.memory_space<vmem>>, vector<1x16xf32>,
      %swap3A_613 = vector.shape_cast %swap3A_612 : vector<1x16xf32> to vector<16xf32>
      %swap3A_614 = vector.shape_cast %select_n3A_598 : vector<16xf32> to vector<1x16xf32>
      tpu.vector_store %arg7[%swap3A_610, %swap3A_611], %swap3A_614 {strides = array<i32>} : memref<50x256xf32, #tpu.memory_space<vmem>>, vector<1x16xf32>,
    }
    %scan3A_35 = arith.constant 200 : i32
    %dma_wait3A_36 = arith.constant 3200 : i32
    %dma_wait3A_37 = arith.constant 0 : i32
    %dma_wait3A_38 = tpu.memref_slice %arg6[%dma_wait3A_36, %dma_wait3A_37] : memref<6400x16xf32, #tpu.memory_space<vmem>> -> memref<3200x16xf32, #tpu.memory_space<vmem>>
    %dma_wait3A_39 = arith.constant 3200 : i32
    %dma_wait3A_40 = tpu.memref_slice %arg5[%dma_wait3A_39] : memref<6400xi32, #tpu.memory_space<vmem>> -> memref<3200xi32, #tpu.memory_space<vmem>>
    %dma_wait3A_41 = arith.constant 0 : i32
    %dma_wait3A_42 = arith.constant 0 : i32
    %dma_wait3A_43 = tpu.memref_slice %arg2[%dma_wait3A_41, %dma_wait3A_42] : memref<106496x16xf32, #tpu.memory_space<hbm>> -> memref<106496x16xf32, #tpu.memory_space<hbm>>
    tpu.wait_indirect_dma semaphore(%arg9 : memref<!tpu.dma_semaphore, #tpu.memory_space<semaphore_mem>>) src(%dma_wait3A_43 : memref<106496x16xf32, #tpu.memory_space<hbm>>) dst(%dma_wait3A_38 : memref<3200x16xf32, #tpu.memory_space<vmem>>)
    %scan3A_44 = arith.constant 4 : i32
    %scan3A_45 = arith.constant 0 : i32
    %scan3A_46 = arith.constant 200 : i32
    %scan3A_47 = arith.addi %scan3A_45, %scan3A_46 : i32
    %scan3A_48 = arith.constant 2 : i32
    scf.for %scan3A_52 = %scan3A_45 to %scan3A_47 step %scan3A_48  : i32 {
      %shift_right_logical3A = arith.constant 2 : i32
      %shift_right_logical3A_53 = arith.shrui %scan3A_52, %shift_right_logical3A : i32
      %and3A = arith.constant 3 : i32
      %and3A_54 = arith.andi %scan3A_52, %and3A : i32
      %add3A_55 = arith.addi %and3A_54, %scan3A_44 : i32
      %mul3A_56 = arith.constant 800 : i32
      %mul3A_57 = arith.muli %mul3A_56, %add3A_55 : i32
      %add3A_58 = arith.addi %mul3A_57, %shift_right_logical3A_53 : i32
      %broadcast_in_dim3A = arith.constant 0.000000e+00 : f32
      %broadcast_in_dim3A_59 = vector.broadcast %broadcast_in_dim3A : f32 to vector<16xf32>
      %broadcast_in_dim3A_60 = arith.constant 0.000000e+00 : f32
      %broadcast_in_dim3A_61 = vector.broadcast %broadcast_in_dim3A_60 : f32 to vector<16xf32>
      %add3A_62 = arith.constant 0 : i32
      %add3A_63 = arith.addi %add3A_58, %add3A_62 : i32
      %get3A = arith.index_cast %add3A_63 : i32 to index
      %get3A_64 = arith.constant 0 : index
      %get3A_65 = tpu.vector_load %arg6[%get3A, %get3A_64] {strides = array<i32>} : memref<6400x16xf32, #tpu.memory_space<vmem>>, vector<1x16xf32>,
      %get3A_66 = vector.shape_cast %get3A_65 : vector<1x16xf32> to vector<16xf32>
      %rev3A = arith.constant 15 : i32
      %rev3A_67 = vector.broadcast %rev3A : i32 to vector<16xi32>
      %rev3A_68 = tpu.iota {dimensions = array<i32: 0>} : vector<16xi32>
      %rev3A_69 = arith.subi %rev3A_67, %rev3A_68 : vector<16xi32>
      %rev3A_70 = tpu.dynamic_gather %get3A_66[%rev3A_69] in [0] : vector<16xf32>, vector<16xi32> -> vector<16xf32>
      %eq3A = arith.constant 0 : i32
      %eq3A_71 = vector.broadcast %eq3A : i32 to vector<16xi32>
      %eq3A_72 = arith.cmpi eq, %iota3A, %eq3A_71 : vector<16xi32>
      %select_n3A = arith.select %eq3A_72, %get3A_66, %broadcast_in_dim3A_59 : vector<16xi1>, vector<16xf32>
      %select_n3A_73 = arith.select %eq3A_72, %rev3A_70, %broadcast_in_dim3A_61 : vector<16xi1>, vector<16xf32>
      %add3A_74 = arith.constant 50 : i32
      %add3A_75 = arith.addi %add3A_58, %add3A_74 : i32
      %get3A_76 = arith.index_cast %add3A_75 : i32 to index
      %get3A_77 = arith.constant 0 : index
      %get3A_78 = tpu.vector_load %arg6[%get3A_76, %get3A_77] {strides = array<i32>} : memref<6400x16xf32, #tpu.memory_space<vmem>>, vector<1x16xf32>,
      %get3A_79 = vector.shape_cast %get3A_78 : vector<1x16xf32> to vector<16xf32>
      %rev3A_80 = arith.constant 15 : i32
      %rev3A_81 = vector.broadcast %rev3A_80 : i32 to vector<16xi32>
      %rev3A_82 = tpu.iota {dimensions = array<i32: 0>} : vector<16xi32>
      %rev3A_83 = arith.subi %rev3A_81, %rev3A_82 : vector<16xi32>
      %rev3A_84 = tpu.dynamic_gather %get3A_79[%rev3A_83] in [0] : vector<16xf32>, vector<16xi32> -> vector<16xf32>
      %eq3A_85 = arith.constant 1 : i32
      %eq3A_86 = vector.broadcast %eq3A_85 : i32 to vector<16xi32>
      %eq3A_87 = arith.cmpi eq, %iota3A, %eq3A_86 : vector<16xi32>
      %select_n3A_88 = arith.select %eq3A_87, %rev3A_84, %select_n3A : vector<16xi1>, vector<16xf32>
      %select_n3A_89 = arith.select %eq3A_87, %get3A_79, %select_n3A_73 : vector<16xi1>, vector<16xf32>
      %add3A_90 = arith.constant 100 : i32
      %add3A_91 = arith.addi %add3A_58, %add3A_90 : i32
      %get3A_92 = arith.index_cast %add3A_91 : i32 to index
      %get3A_93 = arith.constant 0 : index
      %get3A_94 = tpu.vector_load %arg6[%get3A_92, %get3A_93] {strides = array<i32>} : memref<6400x16xf32, #tpu.memory_space<vmem>>, vector<1x16xf32>,
      %get3A_95 = vector.shape_cast %get3A_94 : vector<1x16xf32> to vector<16xf32>
      %rev3A_96 = arith.constant 15 : i32
      %rev3A_97 = vector.broadcast %rev3A_96 : i32 to vector<16xi32>
      %rev3A_98 = tpu.iota {dimensions = array<i32: 0>} : vector<16xi32>
      %rev3A_99 = arith.subi %rev3A_97, %rev3A_98 : vector<16xi32>
      %rev3A_100 = tpu.dynamic_gather %get3A_95[%rev3A_99] in [0] : vector<16xf32>, vector<16xi32> -> vector<16xf32>
      %eq3A_101 = arith.constant 2 : i32
      %eq3A_102 = vector.broadcast %eq3A_101 : i32 to vector<16xi32>
      %eq3A_103 = arith.cmpi eq, %iota3A, %eq3A_102 : vector<16xi32>
      %select_n3A_104 = arith.select %eq3A_103, %get3A_95, %select_n3A_88 : vector<16xi1>, vector<16xf32>
      %select_n3A_105 = arith.select %eq3A_103, %rev3A_100, %select_n3A_89 : vector<16xi1>, vector<16xf32>
      %add3A_106 = arith.constant 150 : i32
      %add3A_107 = arith.addi %add3A_58, %add3A_106 : i32
      %get3A_108 = arith.index_cast %add3A_107 : i32 to index
      %get3A_109 = arith.constant 0 : index
      %get3A_110 = tpu.vector_load %arg6[%get3A_108, %get3A_109] {strides = array<i32>} : memref<6400x16xf32, #tpu.memory_space<vmem>>, vector<1x16xf32>,
      %get3A_111 = vector.shape_cast %get3A_110 : vector<1x16xf32> to vector<16xf32>
      %rev3A_112 = arith.constant 15 : i32
      %rev3A_113 = vector.broadcast %rev3A_112 : i32 to vector<16xi32>
      %rev3A_114 = tpu.iota {dimensions = array<i32: 0>} : vector<16xi32>
      %rev3A_115 = arith.subi %rev3A_113, %rev3A_114 : vector<16xi32>
      %rev3A_116 = tpu.dynamic_gather %get3A_111[%rev3A_115] in [0] : vector<16xf32>, vector<16xi32> -> vector<16xf32>
      %eq3A_117 = arith.constant 3 : i32
      %eq3A_118 = vector.broadcast %eq3A_117 : i32 to vector<16xi32>
      %eq3A_119 = arith.cmpi eq, %iota3A, %eq3A_118 : vector<16xi32>
      %select_n3A_120 = arith.select %eq3A_119, %rev3A_116, %select_n3A_104 : vector<16xi1>, vector<16xf32>
      %select_n3A_121 = arith.select %eq3A_119, %get3A_111, %select_n3A_105 : vector<16xi1>, vector<16xf32>
      %add3A_122 = arith.constant 200 : i32
      %add3A_123 = arith.addi %add3A_58, %add3A_122 : i32
      %get3A_124 = arith.index_cast %add3A_123 : i32 to index
      %get3A_125 = arith.constant 0 : index
      %get3A_126 = tpu.vector_load %arg6[%get3A_124, %get3A_125] {strides = array<i32>} : memref<6400x16xf32, #tpu.memory_space<vmem>>, vector<1x16xf32>,
      %get3A_127 = vector.shape_cast %get3A_126 : vector<1x16xf32> to vector<16xf32>
      %rev3A_128 = arith.constant 15 : i32
      %rev3A_129 = vector.broadcast %rev3A_128 : i32 to vector<16xi32>
      %rev3A_130 = tpu.iota {dimensions = array<i32: 0>} : vector<16xi32>
      %rev3A_131 = arith.subi %rev3A_129, %rev3A_130 : vector<16xi32>
      %rev3A_132 = tpu.dynamic_gather %get3A_127[%rev3A_131] in [0] : vector<16xf32>, vector<16xi32> -> vector<16xf32>
      %eq3A_133 = arith.constant 4 : i32
      %eq3A_134 = vector.broadcast %eq3A_133 : i32 to vector<16xi32>
      %eq3A_135 = arith.cmpi eq, %iota3A, %eq3A_134 : vector<16xi32>
      %select_n3A_136 = arith.select %eq3A_135, %get3A_127, %select_n3A_120 : vector<16xi1>, vector<16xf32>
      %select_n3A_137 = arith.select %eq3A_135, %rev3A_132, %select_n3A_121 : vector<16xi1>, vector<16xf32>
      %add3A_138 = arith.constant 250 : i32
      %add3A_139 = arith.addi %add3A_58, %add3A_138 : i32
      %get3A_140 = arith.index_cast %add3A_139 : i32 to index
      %get3A_141 = arith.constant 0 : index
      %get3A_142 = tpu.vector_load %arg6[%get3A_140, %get3A_141] {strides = array<i32>} : memref<6400x16xf32, #tpu.memory_space<vmem>>, vector<1x16xf32>,
      %get3A_143 = vector.shape_cast %get3A_142 : vector<1x16xf32> to vector<16xf32>
      %rev3A_144 = arith.constant 15 : i32
      %rev3A_145 = vector.broadcast %rev3A_144 : i32 to vector<16xi32>
      %rev3A_146 = tpu.iota {dimensions = array<i32: 0>} : vector<16xi32>
      %rev3A_147 = arith.subi %rev3A_145, %rev3A_146 : vector<16xi32>
      %rev3A_148 = tpu.dynamic_gather %get3A_143[%rev3A_147] in [0] : vector<16xf32>, vector<16xi32> -> vector<16xf32>
      %eq3A_149 = arith.constant 5 : i32
      %eq3A_150 = vector.broadcast %eq3A_149 : i32 to vector<16xi32>
      %eq3A_151 = arith.cmpi eq, %iota3A, %eq3A_150 : vector<16xi32>
      %select_n3A_152 = arith.select %eq3A_151, %rev3A_148, %select_n3A_136 : vector<16xi1>, vector<16xf32>
      %select_n3A_153 = arith.select %eq3A_151, %get3A_143, %select_n3A_137 : vector<16xi1>, vector<16xf32>
      %add3A_154 = arith.constant 300 : i32
      %add3A_155 = arith.addi %add3A_58, %add3A_154 : i32
      %get3A_156 = arith.index_cast %add3A_155 : i32 to index
      %get3A_157 = arith.constant 0 : index
      %get3A_158 = tpu.vector_load %arg6[%get3A_156, %get3A_157] {strides = array<i32>} : memref<6400x16xf32, #tpu.memory_space<vmem>>, vector<1x16xf32>,
      %get3A_159 = vector.shape_cast %get3A_158 : vector<1x16xf32> to vector<16xf32>
      %rev3A_160 = arith.constant 15 : i32
      %rev3A_161 = vector.broadcast %rev3A_160 : i32 to vector<16xi32>
      %rev3A_162 = tpu.iota {dimensions = array<i32: 0>} : vector<16xi32>
      %rev3A_163 = arith.subi %rev3A_161, %rev3A_162 : vector<16xi32>
      %rev3A_164 = tpu.dynamic_gather %get3A_159[%rev3A_163] in [0] : vector<16xf32>, vector<16xi32> -> vector<16xf32>
      %eq3A_165 = arith.constant 6 : i32
      %eq3A_166 = vector.broadcast %eq3A_165 : i32 to vector<16xi32>
      %eq3A_167 = arith.cmpi eq, %iota3A, %eq3A_166 : vector<16xi32>
      %select_n3A_168 = arith.select %eq3A_167, %get3A_159, %select_n3A_152 : vector<16xi1>, vector<16xf32>
      %select_n3A_169 = arith.select %eq3A_167, %rev3A_164, %select_n3A_153 : vector<16xi1>, vector<16xf32>
      %add3A_170 = arith.constant 350 : i32
      %add3A_171 = arith.addi %add3A_58, %add3A_170 : i32
      %get3A_172 = arith.index_cast %add3A_171 : i32 to index
      %get3A_173 = arith.constant 0 : index
      %get3A_174 = tpu.vector_load %arg6[%get3A_172, %get3A_173] {strides = array<i32>} : memref<6400x16xf32, #tpu.memory_space<vmem>>, vector<1x16xf32>,
      %get3A_175 = vector.shape_cast %get3A_174 : vector<1x16xf32> to vector<16xf32>
      %rev3A_176 = arith.constant 15 : i32
      %rev3A_177 = vector.broadcast %rev3A_176 : i32 to vector<16xi32>
      %rev3A_178 = tpu.iota {dimensions = array<i32: 0>} : vector<16xi32>
      %rev3A_179 = arith.subi %rev3A_177, %rev3A_178 : vector<16xi32>
      %rev3A_180 = tpu.dynamic_gather %get3A_175[%rev3A_179] in [0] : vector<16xf32>, vector<16xi32> -> vector<16xf32>
      %eq3A_181 = arith.constant 7 : i32
      %eq3A_182 = vector.broadcast %eq3A_181 : i32 to vector<16xi32>
      %eq3A_183 = arith.cmpi eq, %iota3A, %eq3A_182 : vector<16xi32>
      %select_n3A_184 = arith.select %eq3A_183, %rev3A_180, %select_n3A_168 : vector<16xi1>, vector<16xf32>
      %select_n3A_185 = arith.select %eq3A_183, %get3A_175, %select_n3A_169 : vector<16xi1>, vector<16xf32>
      %add3A_186 = arith.constant 400 : i32
      %add3A_187 = arith.addi %add3A_58, %add3A_186 : i32
      %get3A_188 = arith.index_cast %add3A_187 : i32 to index
      %get3A_189 = arith.constant 0 : index
      %get3A_190 = tpu.vector_load %arg6[%get3A_188, %get3A_189] {strides = array<i32>} : memref<6400x16xf32, #tpu.memory_space<vmem>>, vector<1x16xf32>,
      %get3A_191 = vector.shape_cast %get3A_190 : vector<1x16xf32> to vector<16xf32>
      %rev3A_192 = arith.constant 15 : i32
      %rev3A_193 = vector.broadcast %rev3A_192 : i32 to vector<16xi32>
      %rev3A_194 = tpu.iota {dimensions = array<i32: 0>} : vector<16xi32>
      %rev3A_195 = arith.subi %rev3A_193, %rev3A_194 : vector<16xi32>
      %rev3A_196 = tpu.dynamic_gather %get3A_191[%rev3A_195] in [0] : vector<16xf32>, vector<16xi32> -> vector<16xf32>
      %eq3A_197 = arith.constant 8 : i32
      %eq3A_198 = vector.broadcast %eq3A_197 : i32 to vector<16xi32>
      %eq3A_199 = arith.cmpi eq, %iota3A, %eq3A_198 : vector<16xi32>
      %select_n3A_200 = arith.select %eq3A_199, %get3A_191, %select_n3A_184 : vector<16xi1>, vector<16xf32>
      %select_n3A_201 = arith.select %eq3A_199, %rev3A_196, %select_n3A_185 : vector<16xi1>, vector<16xf32>
      %add3A_202 = arith.constant 450 : i32
      %add3A_203 = arith.addi %add3A_58, %add3A_202 : i32
      %get3A_204 = arith.index_cast %add3A_203 : i32 to index
      %get3A_205 = arith.constant 0 : index
      %get3A_206 = tpu.vector_load %arg6[%get3A_204, %get3A_205] {strides = array<i32>} : memref<6400x16xf32, #tpu.memory_space<vmem>>, vector<1x16xf32>,
      %get3A_207 = vector.shape_cast %get3A_206 : vector<1x16xf32> to vector<16xf32>
      %rev3A_208 = arith.constant 15 : i32
      %rev3A_209 = vector.broadcast %rev3A_208 : i32 to vector<16xi32>
      %rev3A_210 = tpu.iota {dimensions = array<i32: 0>} : vector<16xi32>
      %rev3A_211 = arith.subi %rev3A_209, %rev3A_210 : vector<16xi32>
      %rev3A_212 = tpu.dynamic_gather %get3A_207[%rev3A_211] in [0] : vector<16xf32>, vector<16xi32> -> vector<16xf32>
      %eq3A_213 = arith.constant 9 : i32
      %eq3A_214 = vector.broadcast %eq3A_213 : i32 to vector<16xi32>
      %eq3A_215 = arith.cmpi eq, %iota3A, %eq3A_214 : vector<16xi32>
      %select_n3A_216 = arith.select %eq3A_215, %rev3A_212, %select_n3A_200 : vector<16xi1>, vector<16xf32>
      %select_n3A_217 = arith.select %eq3A_215, %get3A_207, %select_n3A_201 : vector<16xi1>, vector<16xf32>
      %add3A_218 = arith.constant 500 : i32
      %add3A_219 = arith.addi %add3A_58, %add3A_218 : i32
      %get3A_220 = arith.index_cast %add3A_219 : i32 to index
      %get3A_221 = arith.constant 0 : index
      %get3A_222 = tpu.vector_load %arg6[%get3A_220, %get3A_221] {strides = array<i32>} : memref<6400x16xf32, #tpu.memory_space<vmem>>, vector<1x16xf32>,
      %get3A_223 = vector.shape_cast %get3A_222 : vector<1x16xf32> to vector<16xf32>
      %rev3A_224 = arith.constant 15 : i32
      %rev3A_225 = vector.broadcast %rev3A_224 : i32 to vector<16xi32>
      %rev3A_226 = tpu.iota {dimensions = array<i32: 0>} : vector<16xi32>
      %rev3A_227 = arith.subi %rev3A_225, %rev3A_226 : vector<16xi32>
      %rev3A_228 = tpu.dynamic_gather %get3A_223[%rev3A_227] in [0] : vector<16xf32>, vector<16xi32> -> vector<16xf32>
      %eq3A_229 = arith.constant 10 : i32
      %eq3A_230 = vector.broadcast %eq3A_229 : i32 to vector<16xi32>
      %eq3A_231 = arith.cmpi eq, %iota3A, %eq3A_230 : vector<16xi32>
      %select_n3A_232 = arith.select %eq3A_231, %get3A_223, %select_n3A_216 : vector<16xi1>, vector<16xf32>
      %select_n3A_233 = arith.select %eq3A_231, %rev3A_228, %select_n3A_217 : vector<16xi1>, vector<16xf32>
      %add3A_234 = arith.constant 550 : i32
      %add3A_235 = arith.addi %add3A_58, %add3A_234 : i32
      %get3A_236 = arith.index_cast %add3A_235 : i32 to index
      %get3A_237 = arith.constant 0 : index
      %get3A_238 = tpu.vector_load %arg6[%get3A_236, %get3A_237] {strides = array<i32>} : memref<6400x16xf32, #tpu.memory_space<vmem>>, vector<1x16xf32>,
      %get3A_239 = vector.shape_cast %get3A_238 : vector<1x16xf32> to vector<16xf32>
      %rev3A_240 = arith.constant 15 : i32
      %rev3A_241 = vector.broadcast %rev3A_240 : i32 to vector<16xi32>
      %rev3A_242 = tpu.iota {dimensions = array<i32: 0>} : vector<16xi32>
      %rev3A_243 = arith.subi %rev3A_241, %rev3A_242 : vector<16xi32>
      %rev3A_244 = tpu.dynamic_gather %get3A_239[%rev3A_243] in [0] : vector<16xf32>, vector<16xi32> -> vector<16xf32>
      %eq3A_245 = arith.constant 11 : i32
      %eq3A_246 = vector.broadcast %eq3A_245 : i32 to vector<16xi32>
      %eq3A_247 = arith.cmpi eq, %iota3A, %eq3A_246 : vector<16xi32>
      %select_n3A_248 = arith.select %eq3A_247, %rev3A_244, %select_n3A_232 : vector<16xi1>, vector<16xf32>
      %select_n3A_249 = arith.select %eq3A_247, %get3A_239, %select_n3A_233 : vector<16xi1>, vector<16xf32>
      %add3A_250 = arith.constant 600 : i32
      %add3A_251 = arith.addi %add3A_58, %add3A_250 : i32
      %get3A_252 = arith.index_cast %add3A_251 : i32 to index
      %get3A_253 = arith.constant 0 : index
      %get3A_254 = tpu.vector_load %arg6[%get3A_252, %get3A_253] {strides = array<i32>} : memref<6400x16xf32, #tpu.memory_space<vmem>>, vector<1x16xf32>,
      %get3A_255 = vector.shape_cast %get3A_254 : vector<1x16xf32> to vector<16xf32>
      %rev3A_256 = arith.constant 15 : i32
      %rev3A_257 = vector.broadcast %rev3A_256 : i32 to vector<16xi32>
      %rev3A_258 = tpu.iota {dimensions = array<i32: 0>} : vector<16xi32>
      %rev3A_259 = arith.subi %rev3A_257, %rev3A_258 : vector<16xi32>
      %rev3A_260 = tpu.dynamic_gather %get3A_255[%rev3A_259] in [0] : vector<16xf32>, vector<16xi32> -> vector<16xf32>
      %eq3A_261 = arith.constant 12 : i32
      %eq3A_262 = vector.broadcast %eq3A_261 : i32 to vector<16xi32>
      %eq3A_263 = arith.cmpi eq, %iota3A, %eq3A_262 : vector<16xi32>
      %select_n3A_264 = arith.select %eq3A_263, %get3A_255, %select_n3A_248 : vector<16xi1>, vector<16xf32>
      %select_n3A_265 = arith.select %eq3A_263, %rev3A_260, %select_n3A_249 : vector<16xi1>, vector<16xf32>
      %add3A_266 = arith.constant 650 : i32
      %add3A_267 = arith.addi %add3A_58, %add3A_266 : i32
      %get3A_268 = arith.index_cast %add3A_267 : i32 to index
      %get3A_269 = arith.constant 0 : index
      %get3A_270 = tpu.vector_load %arg6[%get3A_268, %get3A_269] {strides = array<i32>} : memref<6400x16xf32, #tpu.memory_space<vmem>>, vector<1x16xf32>,
      %get3A_271 = vector.shape_cast %get3A_270 : vector<1x16xf32> to vector<16xf32>
      %rev3A_272 = arith.constant 15 : i32
      %rev3A_273 = vector.broadcast %rev3A_272 : i32 to vector<16xi32>
      %rev3A_274 = tpu.iota {dimensions = array<i32: 0>} : vector<16xi32>
      %rev3A_275 = arith.subi %rev3A_273, %rev3A_274 : vector<16xi32>
      %rev3A_276 = tpu.dynamic_gather %get3A_271[%rev3A_275] in [0] : vector<16xf32>, vector<16xi32> -> vector<16xf32>
      %eq3A_277 = arith.constant 13 : i32
      %eq3A_278 = vector.broadcast %eq3A_277 : i32 to vector<16xi32>
      %eq3A_279 = arith.cmpi eq, %iota3A, %eq3A_278 : vector<16xi32>
      %select_n3A_280 = arith.select %eq3A_279, %rev3A_276, %select_n3A_264 : vector<16xi1>, vector<16xf32>
      %select_n3A_281 = arith.select %eq3A_279, %get3A_271, %select_n3A_265 : vector<16xi1>, vector<16xf32>
      %add3A_282 = arith.constant 700 : i32
      %add3A_283 = arith.addi %add3A_58, %add3A_282 : i32
      %get3A_284 = arith.index_cast %add3A_283 : i32 to index
      %get3A_285 = arith.constant 0 : index
      %get3A_286 = tpu.vector_load %arg6[%get3A_284, %get3A_285] {strides = array<i32>} : memref<6400x16xf32, #tpu.memory_space<vmem>>, vector<1x16xf32>,
      %get3A_287 = vector.shape_cast %get3A_286 : vector<1x16xf32> to vector<16xf32>
      %rev3A_288 = arith.constant 15 : i32
      %rev3A_289 = vector.broadcast %rev3A_288 : i32 to vector<16xi32>
      %rev3A_290 = tpu.iota {dimensions = array<i32: 0>} : vector<16xi32>
      %rev3A_291 = arith.subi %rev3A_289, %rev3A_290 : vector<16xi32>
      %rev3A_292 = tpu.dynamic_gather %get3A_287[%rev3A_291] in [0] : vector<16xf32>, vector<16xi32> -> vector<16xf32>
      %eq3A_293 = arith.constant 14 : i32
      %eq3A_294 = vector.broadcast %eq3A_293 : i32 to vector<16xi32>
      %eq3A_295 = arith.cmpi eq, %iota3A, %eq3A_294 : vector<16xi32>
      %select_n3A_296 = arith.select %eq3A_295, %get3A_287, %select_n3A_280 : vector<16xi1>, vector<16xf32>
      %select_n3A_297 = arith.select %eq3A_295, %rev3A_292, %select_n3A_281 : vector<16xi1>, vector<16xf32>
      %add3A_298 = arith.constant 750 : i32
      %add3A_299 = arith.addi %add3A_58, %add3A_298 : i32
      %get3A_300 = arith.index_cast %add3A_299 : i32 to index
      %get3A_301 = arith.constant 0 : index
      %get3A_302 = tpu.vector_load %arg6[%get3A_300, %get3A_301] {strides = array<i32>} : memref<6400x16xf32, #tpu.memory_space<vmem>>, vector<1x16xf32>,
      %get3A_303 = vector.shape_cast %get3A_302 : vector<1x16xf32> to vector<16xf32>
      %rev3A_304 = arith.constant 15 : i32
      %rev3A_305 = vector.broadcast %rev3A_304 : i32 to vector<16xi32>
      %rev3A_306 = tpu.iota {dimensions = array<i32: 0>} : vector<16xi32>
      %rev3A_307 = arith.subi %rev3A_305, %rev3A_306 : vector<16xi32>
      %rev3A_308 = tpu.dynamic_gather %get3A_303[%rev3A_307] in [0] : vector<16xf32>, vector<16xi32> -> vector<16xf32>
      %eq3A_309 = arith.constant 15 : i32
      %eq3A_310 = vector.broadcast %eq3A_309 : i32 to vector<16xi32>
      %eq3A_311 = arith.cmpi eq, %iota3A, %eq3A_310 : vector<16xi32>
      %select_n3A_312 = arith.select %eq3A_311, %rev3A_308, %select_n3A_296 : vector<16xi1>, vector<16xf32>
      %select_n3A_313 = arith.select %eq3A_311, %get3A_303, %select_n3A_297 : vector<16xi1>, vector<16xf32>
      %mul3A_314 = arith.constant 16 : i32
      %mul3A_315 = arith.muli %mul3A_314, %add3A_55 : i32
      %swap3A = arith.index_cast %shift_right_logical3A_53 : i32 to index
      %swap3A_316 = arith.index_cast %mul3A_315 : i32 to index
      %swap3A_317 = tpu.vector_load %arg7[%swap3A, %swap3A_316] {strides = array<i32>} : memref<50x256xf32, #tpu.memory_space<vmem>>, vector<1x16xf32>,
      %swap3A_318 = vector.shape_cast %swap3A_317 : vector<1x16xf32> to vector<16xf32>
      %swap3A_319 = vector.shape_cast %select_n3A_312 : vector<16xf32> to vector<1x16xf32>
      tpu.vector_store %arg7[%swap3A, %swap3A_316], %swap3A_319 {strides = array<i32>} : memref<50x256xf32, #tpu.memory_space<vmem>>, vector<1x16xf32>,
      %mul3A_320 = arith.constant 16 : i32
      %mul3A_321 = arith.muli %mul3A_320, %add3A_55 : i32
      %add3A_322 = arith.constant 128 : i32
      %add3A_323 = arith.addi %add3A_322, %mul3A_321 : i32
      %swap3A_324 = arith.index_cast %shift_right_logical3A_53 : i32 to index
      %swap3A_325 = arith.index_cast %add3A_323 : i32 to index
      %swap3A_326 = tpu.vector_load %arg7[%swap3A_324, %swap3A_325] {strides = array<i32>} : memref<50x256xf32, #tpu.memory_space<vmem>>, vector<1x16xf32>,
      %swap3A_327 = vector.shape_cast %swap3A_326 : vector<1x16xf32> to vector<16xf32>
      %swap3A_328 = vector.shape_cast %select_n3A_313 : vector<16xf32> to vector<1x16xf32>
      tpu.vector_store %arg7[%swap3A_324, %swap3A_325], %swap3A_328 {strides = array<i32>} : memref<50x256xf32, #tpu.memory_space<vmem>>, vector<1x16xf32>,
      %scan3A_329 = arith.constant 1 : i32
      %scan3A_330 = arith.addi %scan3A_52, %scan3A_329 : i32
      %shift_right_logical3A_331 = arith.constant 2 : i32
      %shift_right_logical3A_332 = arith.shrui %scan3A_330, %shift_right_logical3A_331 : i32
      %and3A_333 = arith.constant 3 : i32
      %and3A_334 = arith.andi %scan3A_330, %and3A_333 : i32
      %add3A_335 = arith.addi %and3A_334, %scan3A_44 : i32
      %mul3A_336 = arith.constant 800 : i32
      %mul3A_337 = arith.muli %mul3A_336, %add3A_335 : i32
      %add3A_338 = arith.addi %mul3A_337, %shift_right_logical3A_332 : i32
      %broadcast_in_dim3A_339 = arith.constant 0.000000e+00 : f32
      %broadcast_in_dim3A_340 = vector.broadcast %broadcast_in_dim3A_339 : f32 to vector<16xf32>
      %broadcast_in_dim3A_341 = arith.constant 0.000000e+00 : f32
      %broadcast_in_dim3A_342 = vector.broadcast %broadcast_in_dim3A_341 : f32 to vector<16xf32>
      %add3A_343 = arith.constant 0 : i32
      %add3A_344 = arith.addi %add3A_338, %add3A_343 : i32
      %get3A_345 = arith.index_cast %add3A_344 : i32 to index
      %get3A_346 = arith.constant 0 : index
      %get3A_347 = tpu.vector_load %arg6[%get3A_345, %get3A_346] {strides = array<i32>} : memref<6400x16xf32, #tpu.memory_space<vmem>>, vector<1x16xf32>,
      %get3A_348 = vector.shape_cast %get3A_347 : vector<1x16xf32> to vector<16xf32>
      %rev3A_349 = arith.constant 15 : i32
      %rev3A_350 = vector.broadcast %rev3A_349 : i32 to vector<16xi32>
      %rev3A_351 = tpu.iota {dimensions = array<i32: 0>} : vector<16xi32>
      %rev3A_352 = arith.subi %rev3A_350, %rev3A_351 : vector<16xi32>
      %rev3A_353 = tpu.dynamic_gather %get3A_348[%rev3A_352] in [0] : vector<16xf32>, vector<16xi32> -> vector<16xf32>
      %eq3A_354 = arith.constant 0 : i32
      %eq3A_355 = vector.broadcast %eq3A_354 : i32 to vector<16xi32>
      %eq3A_356 = arith.cmpi eq, %iota3A, %eq3A_355 : vector<16xi32>
      %select_n3A_357 = arith.select %eq3A_356, %get3A_348, %broadcast_in_dim3A_340 : vector<16xi1>, vector<16xf32>
      %select_n3A_358 = arith.select %eq3A_356, %rev3A_353, %broadcast_in_dim3A_342 : vector<16xi1>, vector<16xf32>
      %add3A_359 = arith.constant 50 : i32
      %add3A_360 = arith.addi %add3A_338, %add3A_359 : i32
      %get3A_361 = arith.index_cast %add3A_360 : i32 to index
      %get3A_362 = arith.constant 0 : index
      %get3A_363 = tpu.vector_load %arg6[%get3A_361, %get3A_362] {strides = array<i32>} : memref<6400x16xf32, #tpu.memory_space<vmem>>, vector<1x16xf32>,
      %get3A_364 = vector.shape_cast %get3A_363 : vector<1x16xf32> to vector<16xf32>
      %rev3A_365 = arith.constant 15 : i32
      %rev3A_366 = vector.broadcast %rev3A_365 : i32 to vector<16xi32>
      %rev3A_367 = tpu.iota {dimensions = array<i32: 0>} : vector<16xi32>
      %rev3A_368 = arith.subi %rev3A_366, %rev3A_367 : vector<16xi32>
      %rev3A_369 = tpu.dynamic_gather %get3A_364[%rev3A_368] in [0] : vector<16xf32>, vector<16xi32> -> vector<16xf32>
      %eq3A_370 = arith.constant 1 : i32
      %eq3A_371 = vector.broadcast %eq3A_370 : i32 to vector<16xi32>
      %eq3A_372 = arith.cmpi eq, %iota3A, %eq3A_371 : vector<16xi32>
      %select_n3A_373 = arith.select %eq3A_372, %rev3A_369, %select_n3A_357 : vector<16xi1>, vector<16xf32>
      %select_n3A_374 = arith.select %eq3A_372, %get3A_364, %select_n3A_358 : vector<16xi1>, vector<16xf32>
      %add3A_375 = arith.constant 100 : i32
      %add3A_376 = arith.addi %add3A_338, %add3A_375 : i32
      %get3A_377 = arith.index_cast %add3A_376 : i32 to index
      %get3A_378 = arith.constant 0 : index
      %get3A_379 = tpu.vector_load %arg6[%get3A_377, %get3A_378] {strides = array<i32>} : memref<6400x16xf32, #tpu.memory_space<vmem>>, vector<1x16xf32>,
      %get3A_380 = vector.shape_cast %get3A_379 : vector<1x16xf32> to vector<16xf32>
      %rev3A_381 = arith.constant 15 : i32
      %rev3A_382 = vector.broadcast %rev3A_381 : i32 to vector<16xi32>
      %rev3A_383 = tpu.iota {dimensions = array<i32: 0>} : vector<16xi32>
      %rev3A_384 = arith.subi %rev3A_382, %rev3A_383 : vector<16xi32>
      %rev3A_385 = tpu.dynamic_gather %get3A_380[%rev3A_384] in [0] : vector<16xf32>, vector<16xi32> -> vector<16xf32>
      %eq3A_386 = arith.constant 2 : i32
      %eq3A_387 = vector.broadcast %eq3A_386 : i32 to vector<16xi32>
      %eq3A_388 = arith.cmpi eq, %iota3A, %eq3A_387 : vector<16xi32>
      %select_n3A_389 = arith.select %eq3A_388, %get3A_380, %select_n3A_373 : vector<16xi1>, vector<16xf32>
      %select_n3A_390 = arith.select %eq3A_388, %rev3A_385, %select_n3A_374 : vector<16xi1>, vector<16xf32>
      %add3A_391 = arith.constant 150 : i32
      %add3A_392 = arith.addi %add3A_338, %add3A_391 : i32
      %get3A_393 = arith.index_cast %add3A_392 : i32 to index
      %get3A_394 = arith.constant 0 : index
      %get3A_395 = tpu.vector_load %arg6[%get3A_393, %get3A_394] {strides = array<i32>} : memref<6400x16xf32, #tpu.memory_space<vmem>>, vector<1x16xf32>,
      %get3A_396 = vector.shape_cast %get3A_395 : vector<1x16xf32> to vector<16xf32>
      %rev3A_397 = arith.constant 15 : i32
      %rev3A_398 = vector.broadcast %rev3A_397 : i32 to vector<16xi32>
      %rev3A_399 = tpu.iota {dimensions = array<i32: 0>} : vector<16xi32>
      %rev3A_400 = arith.subi %rev3A_398, %rev3A_399 : vector<16xi32>
      %rev3A_401 = tpu.dynamic_gather %get3A_396[%rev3A_400] in [0] : vector<16xf32>, vector<16xi32> -> vector<16xf32>
      %eq3A_402 = arith.constant 3 : i32
      %eq3A_403 = vector.broadcast %eq3A_402 : i32 to vector<16xi32>
      %eq3A_404 = arith.cmpi eq, %iota3A, %eq3A_403 : vector<16xi32>
      %select_n3A_405 = arith.select %eq3A_404, %rev3A_401, %select_n3A_389 : vector<16xi1>, vector<16xf32>
      %select_n3A_406 = arith.select %eq3A_404, %get3A_396, %select_n3A_390 : vector<16xi1>, vector<16xf32>
      %add3A_407 = arith.constant 200 : i32
      %add3A_408 = arith.addi %add3A_338, %add3A_407 : i32
      %get3A_409 = arith.index_cast %add3A_408 : i32 to index
      %get3A_410 = arith.constant 0 : index
      %get3A_411 = tpu.vector_load %arg6[%get3A_409, %get3A_410] {strides = array<i32>} : memref<6400x16xf32, #tpu.memory_space<vmem>>, vector<1x16xf32>,
      %get3A_412 = vector.shape_cast %get3A_411 : vector<1x16xf32> to vector<16xf32>
      %rev3A_413 = arith.constant 15 : i32
      %rev3A_414 = vector.broadcast %rev3A_413 : i32 to vector<16xi32>
      %rev3A_415 = tpu.iota {dimensions = array<i32: 0>} : vector<16xi32>
      %rev3A_416 = arith.subi %rev3A_414, %rev3A_415 : vector<16xi32>
      %rev3A_417 = tpu.dynamic_gather %get3A_412[%rev3A_416] in [0] : vector<16xf32>, vector<16xi32> -> vector<16xf32>
      %eq3A_418 = arith.constant 4 : i32
      %eq3A_419 = vector.broadcast %eq3A_418 : i32 to vector<16xi32>
      %eq3A_420 = arith.cmpi eq, %iota3A, %eq3A_419 : vector<16xi32>
      %select_n3A_421 = arith.select %eq3A_420, %get3A_412, %select_n3A_405 : vector<16xi1>, vector<16xf32>
      %select_n3A_422 = arith.select %eq3A_420, %rev3A_417, %select_n3A_406 : vector<16xi1>, vector<16xf32>
      %add3A_423 = arith.constant 250 : i32
      %add3A_424 = arith.addi %add3A_338, %add3A_423 : i32
      %get3A_425 = arith.index_cast %add3A_424 : i32 to index
      %get3A_426 = arith.constant 0 : index
      %get3A_427 = tpu.vector_load %arg6[%get3A_425, %get3A_426] {strides = array<i32>} : memref<6400x16xf32, #tpu.memory_space<vmem>>, vector<1x16xf32>,
      %get3A_428 = vector.shape_cast %get3A_427 : vector<1x16xf32> to vector<16xf32>
      %rev3A_429 = arith.constant 15 : i32
      %rev3A_430 = vector.broadcast %rev3A_429 : i32 to vector<16xi32>
      %rev3A_431 = tpu.iota {dimensions = array<i32: 0>} : vector<16xi32>
      %rev3A_432 = arith.subi %rev3A_430, %rev3A_431 : vector<16xi32>
      %rev3A_433 = tpu.dynamic_gather %get3A_428[%rev3A_432] in [0] : vector<16xf32>, vector<16xi32> -> vector<16xf32>
      %eq3A_434 = arith.constant 5 : i32
      %eq3A_435 = vector.broadcast %eq3A_434 : i32 to vector<16xi32>
      %eq3A_436 = arith.cmpi eq, %iota3A, %eq3A_435 : vector<16xi32>
      %select_n3A_437 = arith.select %eq3A_436, %rev3A_433, %select_n3A_421 : vector<16xi1>, vector<16xf32>
      %select_n3A_438 = arith.select %eq3A_436, %get3A_428, %select_n3A_422 : vector<16xi1>, vector<16xf32>
      %add3A_439 = arith.constant 300 : i32
      %add3A_440 = arith.addi %add3A_338, %add3A_439 : i32
      %get3A_441 = arith.index_cast %add3A_440 : i32 to index
      %get3A_442 = arith.constant 0 : index
      %get3A_443 = tpu.vector_load %arg6[%get3A_441, %get3A_442] {strides = array<i32>} : memref<6400x16xf32, #tpu.memory_space<vmem>>, vector<1x16xf32>,
      %get3A_444 = vector.shape_cast %get3A_443 : vector<1x16xf32> to vector<16xf32>
      %rev3A_445 = arith.constant 15 : i32
      %rev3A_446 = vector.broadcast %rev3A_445 : i32 to vector<16xi32>
      %rev3A_447 = tpu.iota {dimensions = array<i32: 0>} : vector<16xi32>
      %rev3A_448 = arith.subi %rev3A_446, %rev3A_447 : vector<16xi32>
      %rev3A_449 = tpu.dynamic_gather %get3A_444[%rev3A_448] in [0] : vector<16xf32>, vector<16xi32> -> vector<16xf32>
      %eq3A_450 = arith.constant 6 : i32
      %eq3A_451 = vector.broadcast %eq3A_450 : i32 to vector<16xi32>
      %eq3A_452 = arith.cmpi eq, %iota3A, %eq3A_451 : vector<16xi32>
      %select_n3A_453 = arith.select %eq3A_452, %get3A_444, %select_n3A_437 : vector<16xi1>, vector<16xf32>
      %select_n3A_454 = arith.select %eq3A_452, %rev3A_449, %select_n3A_438 : vector<16xi1>, vector<16xf32>
      %add3A_455 = arith.constant 350 : i32
      %add3A_456 = arith.addi %add3A_338, %add3A_455 : i32
      %get3A_457 = arith.index_cast %add3A_456 : i32 to index
      %get3A_458 = arith.constant 0 : index
      %get3A_459 = tpu.vector_load %arg6[%get3A_457, %get3A_458] {strides = array<i32>} : memref<6400x16xf32, #tpu.memory_space<vmem>>, vector<1x16xf32>,
      %get3A_460 = vector.shape_cast %get3A_459 : vector<1x16xf32> to vector<16xf32>
      %rev3A_461 = arith.constant 15 : i32
      %rev3A_462 = vector.broadcast %rev3A_461 : i32 to vector<16xi32>
      %rev3A_463 = tpu.iota {dimensions = array<i32: 0>} : vector<16xi32>
      %rev3A_464 = arith.subi %rev3A_462, %rev3A_463 : vector<16xi32>
      %rev3A_465 = tpu.dynamic_gather %get3A_460[%rev3A_464] in [0] : vector<16xf32>, vector<16xi32> -> vector<16xf32>
      %eq3A_466 = arith.constant 7 : i32
      %eq3A_467 = vector.broadcast %eq3A_466 : i32 to vector<16xi32>
      %eq3A_468 = arith.cmpi eq, %iota3A, %eq3A_467 : vector<16xi32>
      %select_n3A_469 = arith.select %eq3A_468, %rev3A_465, %select_n3A_453 : vector<16xi1>, vector<16xf32>
      %select_n3A_470 = arith.select %eq3A_468, %get3A_460, %select_n3A_454 : vector<16xi1>, vector<16xf32>
      %add3A_471 = arith.constant 400 : i32
      %add3A_472 = arith.addi %add3A_338, %add3A_471 : i32
      %get3A_473 = arith.index_cast %add3A_472 : i32 to index
      %get3A_474 = arith.constant 0 : index
      %get3A_475 = tpu.vector_load %arg6[%get3A_473, %get3A_474] {strides = array<i32>} : memref<6400x16xf32, #tpu.memory_space<vmem>>, vector<1x16xf32>,
      %get3A_476 = vector.shape_cast %get3A_475 : vector<1x16xf32> to vector<16xf32>
      %rev3A_477 = arith.constant 15 : i32
      %rev3A_478 = vector.broadcast %rev3A_477 : i32 to vector<16xi32>
      %rev3A_479 = tpu.iota {dimensions = array<i32: 0>} : vector<16xi32>
      %rev3A_480 = arith.subi %rev3A_478, %rev3A_479 : vector<16xi32>
      %rev3A_481 = tpu.dynamic_gather %get3A_476[%rev3A_480] in [0] : vector<16xf32>, vector<16xi32> -> vector<16xf32>
      %eq3A_482 = arith.constant 8 : i32
      %eq3A_483 = vector.broadcast %eq3A_482 : i32 to vector<16xi32>
      %eq3A_484 = arith.cmpi eq, %iota3A, %eq3A_483 : vector<16xi32>
      %select_n3A_485 = arith.select %eq3A_484, %get3A_476, %select_n3A_469 : vector<16xi1>, vector<16xf32>
      %select_n3A_486 = arith.select %eq3A_484, %rev3A_481, %select_n3A_470 : vector<16xi1>, vector<16xf32>
      %add3A_487 = arith.constant 450 : i32
      %add3A_488 = arith.addi %add3A_338, %add3A_487 : i32
      %get3A_489 = arith.index_cast %add3A_488 : i32 to index
      %get3A_490 = arith.constant 0 : index
      %get3A_491 = tpu.vector_load %arg6[%get3A_489, %get3A_490] {strides = array<i32>} : memref<6400x16xf32, #tpu.memory_space<vmem>>, vector<1x16xf32>,
      %get3A_492 = vector.shape_cast %get3A_491 : vector<1x16xf32> to vector<16xf32>
      %rev3A_493 = arith.constant 15 : i32
      %rev3A_494 = vector.broadcast %rev3A_493 : i32 to vector<16xi32>
      %rev3A_495 = tpu.iota {dimensions = array<i32: 0>} : vector<16xi32>
      %rev3A_496 = arith.subi %rev3A_494, %rev3A_495 : vector<16xi32>
      %rev3A_497 = tpu.dynamic_gather %get3A_492[%rev3A_496] in [0] : vector<16xf32>, vector<16xi32> -> vector<16xf32>
      %eq3A_498 = arith.constant 9 : i32
      %eq3A_499 = vector.broadcast %eq3A_498 : i32 to vector<16xi32>
      %eq3A_500 = arith.cmpi eq, %iota3A, %eq3A_499 : vector<16xi32>
      %select_n3A_501 = arith.select %eq3A_500, %rev3A_497, %select_n3A_485 : vector<16xi1>, vector<16xf32>
      %select_n3A_502 = arith.select %eq3A_500, %get3A_492, %select_n3A_486 : vector<16xi1>, vector<16xf32>
      %add3A_503 = arith.constant 500 : i32
      %add3A_504 = arith.addi %add3A_338, %add3A_503 : i32
      %get3A_505 = arith.index_cast %add3A_504 : i32 to index
      %get3A_506 = arith.constant 0 : index
      %get3A_507 = tpu.vector_load %arg6[%get3A_505, %get3A_506] {strides = array<i32>} : memref<6400x16xf32, #tpu.memory_space<vmem>>, vector<1x16xf32>,
      %get3A_508 = vector.shape_cast %get3A_507 : vector<1x16xf32> to vector<16xf32>
      %rev3A_509 = arith.constant 15 : i32
      %rev3A_510 = vector.broadcast %rev3A_509 : i32 to vector<16xi32>
      %rev3A_511 = tpu.iota {dimensions = array<i32: 0>} : vector<16xi32>
      %rev3A_512 = arith.subi %rev3A_510, %rev3A_511 : vector<16xi32>
      %rev3A_513 = tpu.dynamic_gather %get3A_508[%rev3A_512] in [0] : vector<16xf32>, vector<16xi32> -> vector<16xf32>
      %eq3A_514 = arith.constant 10 : i32
      %eq3A_515 = vector.broadcast %eq3A_514 : i32 to vector<16xi32>
      %eq3A_516 = arith.cmpi eq, %iota3A, %eq3A_515 : vector<16xi32>
      %select_n3A_517 = arith.select %eq3A_516, %get3A_508, %select_n3A_501 : vector<16xi1>, vector<16xf32>
      %select_n3A_518 = arith.select %eq3A_516, %rev3A_513, %select_n3A_502 : vector<16xi1>, vector<16xf32>
      %add3A_519 = arith.constant 550 : i32
      %add3A_520 = arith.addi %add3A_338, %add3A_519 : i32
      %get3A_521 = arith.index_cast %add3A_520 : i32 to index
      %get3A_522 = arith.constant 0 : index
      %get3A_523 = tpu.vector_load %arg6[%get3A_521, %get3A_522] {strides = array<i32>} : memref<6400x16xf32, #tpu.memory_space<vmem>>, vector<1x16xf32>,
      %get3A_524 = vector.shape_cast %get3A_523 : vector<1x16xf32> to vector<16xf32>
      %rev3A_525 = arith.constant 15 : i32
      %rev3A_526 = vector.broadcast %rev3A_525 : i32 to vector<16xi32>
      %rev3A_527 = tpu.iota {dimensions = array<i32: 0>} : vector<16xi32>
      %rev3A_528 = arith.subi %rev3A_526, %rev3A_527 : vector<16xi32>
      %rev3A_529 = tpu.dynamic_gather %get3A_524[%rev3A_528] in [0] : vector<16xf32>, vector<16xi32> -> vector<16xf32>
      %eq3A_530 = arith.constant 11 : i32
      %eq3A_531 = vector.broadcast %eq3A_530 : i32 to vector<16xi32>
      %eq3A_532 = arith.cmpi eq, %iota3A, %eq3A_531 : vector<16xi32>
      %select_n3A_533 = arith.select %eq3A_532, %rev3A_529, %select_n3A_517 : vector<16xi1>, vector<16xf32>
      %select_n3A_534 = arith.select %eq3A_532, %get3A_524, %select_n3A_518 : vector<16xi1>, vector<16xf32>
      %add3A_535 = arith.constant 600 : i32
      %add3A_536 = arith.addi %add3A_338, %add3A_535 : i32
      %get3A_537 = arith.index_cast %add3A_536 : i32 to index
      %get3A_538 = arith.constant 0 : index
      %get3A_539 = tpu.vector_load %arg6[%get3A_537, %get3A_538] {strides = array<i32>} : memref<6400x16xf32, #tpu.memory_space<vmem>>, vector<1x16xf32>,
      %get3A_540 = vector.shape_cast %get3A_539 : vector<1x16xf32> to vector<16xf32>
      %rev3A_541 = arith.constant 15 : i32
      %rev3A_542 = vector.broadcast %rev3A_541 : i32 to vector<16xi32>
      %rev3A_543 = tpu.iota {dimensions = array<i32: 0>} : vector<16xi32>
      %rev3A_544 = arith.subi %rev3A_542, %rev3A_543 : vector<16xi32>
      %rev3A_545 = tpu.dynamic_gather %get3A_540[%rev3A_544] in [0] : vector<16xf32>, vector<16xi32> -> vector<16xf32>
      %eq3A_546 = arith.constant 12 : i32
      %eq3A_547 = vector.broadcast %eq3A_546 : i32 to vector<16xi32>
      %eq3A_548 = arith.cmpi eq, %iota3A, %eq3A_547 : vector<16xi32>
      %select_n3A_549 = arith.select %eq3A_548, %get3A_540, %select_n3A_533 : vector<16xi1>, vector<16xf32>
      %select_n3A_550 = arith.select %eq3A_548, %rev3A_545, %select_n3A_534 : vector<16xi1>, vector<16xf32>
      %add3A_551 = arith.constant 650 : i32
      %add3A_552 = arith.addi %add3A_338, %add3A_551 : i32
      %get3A_553 = arith.index_cast %add3A_552 : i32 to index
      %get3A_554 = arith.constant 0 : index
      %get3A_555 = tpu.vector_load %arg6[%get3A_553, %get3A_554] {strides = array<i32>} : memref<6400x16xf32, #tpu.memory_space<vmem>>, vector<1x16xf32>,
      %get3A_556 = vector.shape_cast %get3A_555 : vector<1x16xf32> to vector<16xf32>
      %rev3A_557 = arith.constant 15 : i32
      %rev3A_558 = vector.broadcast %rev3A_557 : i32 to vector<16xi32>
      %rev3A_559 = tpu.iota {dimensions = array<i32: 0>} : vector<16xi32>
      %rev3A_560 = arith.subi %rev3A_558, %rev3A_559 : vector<16xi32>
      %rev3A_561 = tpu.dynamic_gather %get3A_556[%rev3A_560] in [0] : vector<16xf32>, vector<16xi32> -> vector<16xf32>
      %eq3A_562 = arith.constant 13 : i32
      %eq3A_563 = vector.broadcast %eq3A_562 : i32 to vector<16xi32>
      %eq3A_564 = arith.cmpi eq, %iota3A, %eq3A_563 : vector<16xi32>
      %select_n3A_565 = arith.select %eq3A_564, %rev3A_561, %select_n3A_549 : vector<16xi1>, vector<16xf32>
      %select_n3A_566 = arith.select %eq3A_564, %get3A_556, %select_n3A_550 : vector<16xi1>, vector<16xf32>
      %add3A_567 = arith.constant 700 : i32
      %add3A_568 = arith.addi %add3A_338, %add3A_567 : i32
      %get3A_569 = arith.index_cast %add3A_568 : i32 to index
      %get3A_570 = arith.constant 0 : index
      %get3A_571 = tpu.vector_load %arg6[%get3A_569, %get3A_570] {strides = array<i32>} : memref<6400x16xf32, #tpu.memory_space<vmem>>, vector<1x16xf32>,
      %get3A_572 = vector.shape_cast %get3A_571 : vector<1x16xf32> to vector<16xf32>
      %rev3A_573 = arith.constant 15 : i32
      %rev3A_574 = vector.broadcast %rev3A_573 : i32 to vector<16xi32>
      %rev3A_575 = tpu.iota {dimensions = array<i32: 0>} : vector<16xi32>
      %rev3A_576 = arith.subi %rev3A_574, %rev3A_575 : vector<16xi32>
      %rev3A_577 = tpu.dynamic_gather %get3A_572[%rev3A_576] in [0] : vector<16xf32>, vector<16xi32> -> vector<16xf32>
      %eq3A_578 = arith.constant 14 : i32
      %eq3A_579 = vector.broadcast %eq3A_578 : i32 to vector<16xi32>
      %eq3A_580 = arith.cmpi eq, %iota3A, %eq3A_579 : vector<16xi32>
      %select_n3A_581 = arith.select %eq3A_580, %get3A_572, %select_n3A_565 : vector<16xi1>, vector<16xf32>
      %select_n3A_582 = arith.select %eq3A_580, %rev3A_577, %select_n3A_566 : vector<16xi1>, vector<16xf32>
      %add3A_583 = arith.constant 750 : i32
      %add3A_584 = arith.addi %add3A_338, %add3A_583 : i32
      %get3A_585 = arith.index_cast %add3A_584 : i32 to index
      %get3A_586 = arith.constant 0 : index
      %get3A_587 = tpu.vector_load %arg6[%get3A_585, %get3A_586] {strides = array<i32>} : memref<6400x16xf32, #tpu.memory_space<vmem>>, vector<1x16xf32>,
      %get3A_588 = vector.shape_cast %get3A_587 : vector<1x16xf32> to vector<16xf32>
      %rev3A_589 = arith.constant 15 : i32
      %rev3A_590 = vector.broadcast %rev3A_589 : i32 to vector<16xi32>
      %rev3A_591 = tpu.iota {dimensions = array<i32: 0>} : vector<16xi32>
      %rev3A_592 = arith.subi %rev3A_590, %rev3A_591 : vector<16xi32>
      %rev3A_593 = tpu.dynamic_gather %get3A_588[%rev3A_592] in [0] : vector<16xf32>, vector<16xi32> -> vector<16xf32>
      %eq3A_594 = arith.constant 15 : i32
      %eq3A_595 = vector.broadcast %eq3A_594 : i32 to vector<16xi32>
      %eq3A_596 = arith.cmpi eq, %iota3A, %eq3A_595 : vector<16xi32>
      %select_n3A_597 = arith.select %eq3A_596, %rev3A_593, %select_n3A_581 : vector<16xi1>, vector<16xf32>
      %select_n3A_598 = arith.select %eq3A_596, %get3A_588, %select_n3A_582 : vector<16xi1>, vector<16xf32>
      %mul3A_599 = arith.constant 16 : i32
      %mul3A_600 = arith.muli %mul3A_599, %add3A_335 : i32
      %swap3A_601 = arith.index_cast %shift_right_logical3A_332 : i32 to index
      %swap3A_602 = arith.index_cast %mul3A_600 : i32 to index
      %swap3A_603 = tpu.vector_load %arg7[%swap3A_601, %swap3A_602] {strides = array<i32>} : memref<50x256xf32, #tpu.memory_space<vmem>>, vector<1x16xf32>,
      %swap3A_604 = vector.shape_cast %swap3A_603 : vector<1x16xf32> to vector<16xf32>
      %swap3A_605 = vector.shape_cast %select_n3A_597 : vector<16xf32> to vector<1x16xf32>
      tpu.vector_store %arg7[%swap3A_601, %swap3A_602], %swap3A_605 {strides = array<i32>} : memref<50x256xf32, #tpu.memory_space<vmem>>, vector<1x16xf32>,
      %mul3A_606 = arith.constant 16 : i32
      %mul3A_607 = arith.muli %mul3A_606, %add3A_335 : i32
      %add3A_608 = arith.constant 128 : i32
      %add3A_609 = arith.addi %add3A_608, %mul3A_607 : i32
      %swap3A_610 = arith.index_cast %shift_right_logical3A_332 : i32 to index
      %swap3A_611 = arith.index_cast %add3A_609 : i32 to index
      %swap3A_612 = tpu.vector_load %arg7[%swap3A_610, %swap3A_611] {strides = array<i32>} : memref<50x256xf32, #tpu.memory_space<vmem>>, vector<1x16xf32>,
      %swap3A_613 = vector.shape_cast %swap3A_612 : vector<1x16xf32> to vector<16xf32>
      %swap3A_614 = vector.shape_cast %select_n3A_598 : vector<16xf32> to vector<1x16xf32>
      tpu.vector_store %arg7[%swap3A_610, %swap3A_611], %swap3A_614 {strides = array<i32>} : memref<50x256xf32, #tpu.memory_space<vmem>>, vector<1x16xf32>,
    }
    %scan3A_49 = arith.constant 200 : i32
    %mul3A_50 = arith.constant 256 : i32
    %mul3A_51 = arith.muli %mul3A_50, %add3A : i32
    "tpu.region"() ({
      %run_scoped3A = tpu.sem_alloc : memref<!tpu.dma_semaphore, #tpu.memory_space<semaphore_mem>>
      %dma_start3A_52 = arith.constant 0 : i32
      %dma_start3A_53 = tpu.memref_slice %arg4[%dma_start3A_52, %mul3A_51] : memref<50x8192xf32, #tpu.memory_space<hbm>> -> memref<50x256xf32, #tpu.memory_space<hbm>>
      %dma_start3A_54 = arith.constant 0 : i32
      %dma_start3A_55 = tpu.memref_slice %arg4[%dma_start3A_54, %mul3A_51] : memref<50x8192xf32, #tpu.memory_space<hbm>> -> memref<50x256xf32, #tpu.memory_space<hbm>>
      tpu.enqueue_dma source(%arg7 : memref<50x256xf32, #tpu.memory_space<vmem>>) target(%dma_start3A_55 : memref<50x256xf32, #tpu.memory_space<hbm>>) target_semaphore(%run_scoped3A : memref<!tpu.dma_semaphore, #tpu.memory_space<semaphore_mem>>)
      %dma_wait3A_56 = arith.constant 0 : i32
      %dma_wait3A_57 = tpu.memref_slice %arg4[%dma_wait3A_56, %mul3A_51] : memref<50x8192xf32, #tpu.memory_space<hbm>> -> memref<50x256xf32, #tpu.memory_space<hbm>>
      %dma_wait3A_58 = arith.constant 0 : i32
      %dma_wait3A_59 = tpu.memref_slice %arg4[%dma_wait3A_58, %mul3A_51] : memref<50x8192xf32, #tpu.memory_space<hbm>> -> memref<50x256xf32, #tpu.memory_space<hbm>>
      tpu.wait_dma2 semaphore(%run_scoped3A : memref<!tpu.dma_semaphore, #tpu.memory_space<semaphore_mem>>) src(%arg7 : memref<50x256xf32, #tpu.memory_space<vmem>>) dst(%dma_wait3A_59 : memref<50x256xf32, #tpu.memory_space<hbm>>)
      tpu.yield
    }) : () -> ()
    return
  }
}

module attributes {stable_mosaic.version = 14 : i64} {
  func.func @_mlp_table_body(%arg0: i32, %arg1: memref<300x8192xf32, #tpu.memory_space<vmem>>, %arg2: memref<3x300xf32, #tpu.memory_space<vmem>>, %arg3: memref<8x1xf32, #tpu.memory_space<vmem>>, %arg4: memref<2x3xf32, #tpu.memory_space<vmem>>, %arg5: memref<16x1xf32, #tpu.memory_space<vmem>>, %arg6: memref<1024x128xf32, #tpu.memory_space<vmem>>) attributes {dimension_semantics = [#tpu.dimension_semantics<arbitrary>], iteration_bounds = array<i64: 13>, scalar_prefetch = 0 : i64, scratch_operands = 0 : i64, tpu.core_type = #tpu.core_type<tc>, window_params = [{transform_indices = @transform_0, window_bounds = array<i64: 300, 8192>}, {pipeline_mode = #tpu.pipeline_mode<synchronous>, transform_indices = @transform_1, window_bounds = array<i64: 3, 300>}, {pipeline_mode = #tpu.pipeline_mode<synchronous>, transform_indices = @transform_2, window_bounds = array<i64: 8, 1>}, {pipeline_mode = #tpu.pipeline_mode<synchronous>, transform_indices = @transform_3, window_bounds = array<i64: 2, 3>}, {pipeline_mode = #tpu.pipeline_mode<synchronous>, transform_indices = @transform_4, window_bounds = array<i64: 16, 1>}, {transform_indices = @transform_5, window_bounds = array<i64: 1024, 128>}]} {
    %get3A = arith.constant 0 : index
    %get3A_0 = arith.constant 0 : index
    %get3A_1 = vector.load %arg1[%get3A, %get3A_0] : memref<300x8192xf32, #tpu.memory_space<vmem>>, vector<300x8192xf32>
    %get3A_2 = arith.constant 0 : index
    %get3A_3 = arith.constant 0 : index
    %get3A_4 = vector.load %arg2[%get3A_2, %get3A_3] : memref<3x300xf32, #tpu.memory_space<vmem>>, vector<3x300xf32>
    %broadcast_in_dim3A = arith.constant 0.000000e+00 : f32
    %broadcast_in_dim3A_5 = vector.broadcast %broadcast_in_dim3A : f32 to vector<5x300xf32>
    %concatenate3A = tpu.concatenate %get3A_4, %broadcast_in_dim3A_5 in 0 : vector<3x300xf32>, vector<5x300xf32> -> vector<8x300xf32>
    %get3A_6 = arith.constant 0 : index
    %get3A_7 = arith.constant 0 : index
    %get3A_8 = vector.load %arg4[%get3A_6, %get3A_7] : memref<2x3xf32, #tpu.memory_space<vmem>>, vector<2x3xf32>
    %broadcast_in_dim3A_9 = arith.constant 0.000000e+00 : f32
    %broadcast_in_dim3A_10 = vector.broadcast %broadcast_in_dim3A_9 : f32 to vector<2x5xf32>
    %concatenate3A_11 = tpu.concatenate %get3A_8, %broadcast_in_dim3A_10 in 1 : vector<2x3xf32>, vector<2x5xf32> -> vector<2x8xf32>
    %concatenate3A_12 = tpu.concatenate %concatenate3A_11, %concatenate3A_11, %concatenate3A_11, %concatenate3A_11, %concatenate3A_11, %concatenate3A_11, %concatenate3A_11, %concatenate3A_11 in 0 : vector<2x8xf32>, vector<2x8xf32>, vector<2x8xf32>, vector<2x8xf32>, vector<2x8xf32>, vector<2x8xf32>, vector<2x8xf32>, vector<2x8xf32> -> vector<16x8xf32>
    %dot_general3A = arith.constant dense<0.000000e+00> : vector<8x8192xf32>
    %dot_general3A_13 = tpu.matmul %concatenate3A, %get3A_1, %dot_general3A {dimension_numbers = #tpu.dot_dimension_numbers<[1], [0], [0], [1], [0, 0, 1, 1], [], []>, transpose_lhs_hint = false} : vector<8x300xf32>, vector<300x8192xf32>, vector<8x8192xf32> -> vector<8x8192xf32>
    %get3A_14 = arith.constant 0 : index
    %get3A_15 = arith.constant 0 : index
    %get3A_16 = vector.load %arg3[%get3A_14, %get3A_15] : memref<8x1xf32, #tpu.memory_space<vmem>>, vector<8x1xf32>
    %add3A = vector.broadcast %get3A_16 : vector<8x1xf32> to vector<8x8192xf32>
    %add3A_17 = arith.addf %dot_general3A_13, %add3A : vector<8x8192xf32>
    %max3A = arith.constant 0.000000e+00 : f32
    %max3A_18 = vector.broadcast %max3A : f32 to vector<8x8192xf32>
    %max3A_19 = arith.maximumf %add3A_17, %max3A_18 : vector<8x8192xf32>
    %dot_general3A_20 = arith.constant dense<0.000000e+00> : vector<16x8192xf32>
    %dot_general3A_21 = tpu.matmul %concatenate3A_12, %max3A_19, %dot_general3A_20 {dimension_numbers = #tpu.dot_dimension_numbers<[1], [0], [0], [1], [0, 0, 1, 1], [], []>, transpose_lhs_hint = false} : vector<16x8xf32>, vector<8x8192xf32>, vector<16x8192xf32> -> vector<16x8192xf32>
    %get3A_22 = arith.constant 0 : index
    %get3A_23 = arith.constant 0 : index
    %get3A_24 = vector.load %arg5[%get3A_22, %get3A_23] : memref<16x1xf32, #tpu.memory_space<vmem>>, vector<16x1xf32>
    %add3A_25 = vector.broadcast %get3A_24 : vector<16x1xf32> to vector<16x8192xf32>
    %add3A_26 = arith.addf %dot_general3A_21, %add3A_25 : vector<16x8192xf32>
    %slice3A = vector.extract_strided_slice %add3A_26 {offsets = [0, 0], sizes = [16, 1024], strides = [1, 1]} : vector<16x8192xf32> to vector<16x1024xf32>
    %transpose3A = tpu.transpose %slice3A, [1, 0] : vector<16x1024xf32> -> vector<1024x16xf32>
    %slice3A_27 = vector.extract_strided_slice %add3A_26 {offsets = [0, 1024], sizes = [16, 1024], strides = [1, 1]} : vector<16x8192xf32> to vector<16x1024xf32>
    %transpose3A_28 = tpu.transpose %slice3A_27, [1, 0] : vector<16x1024xf32> -> vector<1024x16xf32>
    %slice3A_29 = vector.extract_strided_slice %add3A_26 {offsets = [0, 2048], sizes = [16, 1024], strides = [1, 1]} : vector<16x8192xf32> to vector<16x1024xf32>
    %transpose3A_30 = tpu.transpose %slice3A_29, [1, 0] : vector<16x1024xf32> -> vector<1024x16xf32>
    %slice3A_31 = vector.extract_strided_slice %add3A_26 {offsets = [0, 3072], sizes = [16, 1024], strides = [1, 1]} : vector<16x8192xf32> to vector<16x1024xf32>
    %transpose3A_32 = tpu.transpose %slice3A_31, [1, 0] : vector<16x1024xf32> -> vector<1024x16xf32>
    %slice3A_33 = vector.extract_strided_slice %add3A_26 {offsets = [0, 4096], sizes = [16, 1024], strides = [1, 1]} : vector<16x8192xf32> to vector<16x1024xf32>
    %transpose3A_34 = tpu.transpose %slice3A_33, [1, 0] : vector<16x1024xf32> -> vector<1024x16xf32>
    %slice3A_35 = vector.extract_strided_slice %add3A_26 {offsets = [0, 5120], sizes = [16, 1024], strides = [1, 1]} : vector<16x8192xf32> to vector<16x1024xf32>
    %transpose3A_36 = tpu.transpose %slice3A_35, [1, 0] : vector<16x1024xf32> -> vector<1024x16xf32>
    %slice3A_37 = vector.extract_strided_slice %add3A_26 {offsets = [0, 6144], sizes = [16, 1024], strides = [1, 1]} : vector<16x8192xf32> to vector<16x1024xf32>
    %transpose3A_38 = tpu.transpose %slice3A_37, [1, 0] : vector<16x1024xf32> -> vector<1024x16xf32>
    %slice3A_39 = vector.extract_strided_slice %add3A_26 {offsets = [0, 7168], sizes = [16, 1024], strides = [1, 1]} : vector<16x8192xf32> to vector<16x1024xf32>
    %transpose3A_40 = tpu.transpose %slice3A_39, [1, 0] : vector<16x1024xf32> -> vector<1024x16xf32>
    %concatenate3A_41 = tpu.concatenate %transpose3A, %transpose3A_28, %transpose3A_30, %transpose3A_32, %transpose3A_34, %transpose3A_36, %transpose3A_38, %transpose3A_40 in 1 : vector<1024x16xf32>, vector<1024x16xf32>, vector<1024x16xf32>, vector<1024x16xf32>, vector<1024x16xf32>, vector<1024x16xf32>, vector<1024x16xf32>, vector<1024x16xf32> -> vector<1024x128xf32>
    %swap3A = arith.constant 0 : index
    %swap3A_42 = arith.constant 0 : index
    %swap3A_43 = vector.load %arg6[%swap3A, %swap3A_42] : memref<1024x128xf32, #tpu.memory_space<vmem>>, vector<1024x128xf32>
    tpu.vector_store %arg6[%swap3A, %swap3A_42], %concatenate3A_41 {strides = array<i32>} : memref<1024x128xf32, #tpu.memory_space<vmem>>, vector<1024x128xf32>,
    return
  }
  func.func @transform_0(%arg0: i32) -> (i32, i32) {
    %c0_i32 = arith.constant 0 : i32
    %c0_i32_0 = arith.constant 0 : i32
    return %c0_i32, %arg0 : i32, i32
  }
  func.func @transform_1(%arg0: i32) -> (i32, i32) {
    %c0_i32 = arith.constant 0 : i32
    %c0_i32_0 = arith.constant 0 : i32
    %c0_i32_1 = arith.constant 0 : i32
    return %c0_i32, %c0_i32_0 : i32, i32
  }
  func.func @transform_2(%arg0: i32) -> (i32, i32) {
    %c0_i32 = arith.constant 0 : i32
    %c0_i32_0 = arith.constant 0 : i32
    %c0_i32_1 = arith.constant 0 : i32
    return %c0_i32, %c0_i32_0 : i32, i32
  }
  func.func @transform_3(%arg0: i32) -> (i32, i32) {
    %c0_i32 = arith.constant 0 : i32
    %c0_i32_0 = arith.constant 0 : i32
    %c0_i32_1 = arith.constant 0 : i32
    return %c0_i32, %c0_i32_0 : i32, i32
  }
  func.func @transform_4(%arg0: i32) -> (i32, i32) {
    %c0_i32 = arith.constant 0 : i32
    %c0_i32_0 = arith.constant 0 : i32
    %c0_i32_1 = arith.constant 0 : i32
    return %c0_i32, %c0_i32_0 : i32, i32
  }
  func.func @transform_5(%arg0: i32) -> (i32, i32) {
    %c0_i32 = arith.constant 0 : i32
    %c0_i32_0 = arith.constant 0 : i32
    return %arg0, %c0_i32 : i32, i32
  }
}

</mosaic_0001>

<sc_bundles>
// kernel: kernel.4.cloned.1.call-start
scs
__scs_entry_jumppad:
0x0: {  	(pc) =	sbr.rel $0x88, $3  }
0x1: {  	(tag) =	ssettag $0x0;
	lr =	simm.s32 $0x1  }
0x2: {  	[smem:$0x3F9B] =	sst lr;
	_ =	strace $0xD0000000  }
0x3: {  	_ = 	snop  }
0x4: {  	_ = 	snop  }
0x5: {  	_ = 	snop  }
0x6: {  	_ = 	snop  }
0x7: {  	_ = 	snop  }
__scs_overlays_trampoline_lowered:
0x8: {  	[smem:$0x3FAA] =	sst s0  }
0x9: {  	[smem:$0x3FAB] =	sst s1  }
0xa: {  	[smem:$0x3FAC] =	sst s2  }
0xb: {  	[smem:$0x3FAD] =	sst s3  }
0xc: {  	[smem:$0x3FAE] =	sst s4  }
0xd: {  	[smem:$0x3FAF] =	sst s5  }
0xe: {  	[smem:$0x3FB0] =	sst s6  }
0xf: {  	[smem:$0x3FB1] =	sst s7  }
0x10: {  	[smem:$0x3FB2] =	sst s8  }
0x11: {  	[smem:$0x3FB3] =	sst s9;
	s0 =	simm.s32 @!p0 $0x0  }
0x12: {  	s1 =	sld [smem:$0x3F99];
	s0 =	simm.s32 @p0 $0x1  }
0x13: {  	[smem:$0x3FB4] =	sst s0;
	s0 =	simm.s32 @!p1 $0x0  }
0x14: {  	s2 =	sld [smem:$0x3F98];
	s0 =	simm.s32 @p1 $0x1  }
0x15: {  	[smem:$0x3FB5] =	sst s0;
	s0 =	simm.s32 @!p2 $0x0  }
0x16: {  	s3 =	sld [smem:$0x3FDB];
	s0 =	simm.s32 @p2 $0x1  }
0x17: {  	s4 =	simm.s32 $0x1BF5;
	[smem:$0x3FB7] =	sst s0  }
0x18: {  	s0 =	sld [smem:$0x3F9A];
	_ =	swait.ge [sflag:s4], $0x0  }
0x19: {  	s7 =	sld [smem:$0x3F9B]  }
0x1a: {  	s8 =	sadd.s32 $0xFFFFE003, lr  }
0x1b: {  	s9 =	sadd.s32 $0xFFFFFEF7, lr;
	s5 =	simm.s32 $0xFFFFFFFF;
	p2 =	slt.u32 s8, $0xFFFFF086  }
0x1c: {  	p1 =	slt.u32 s9, $0xF7A;
	s5 =	simm.s32 @!p2 $0x0  }
0x1d: {  	s5 =	simm.s32 @p1 $0x1;
	p0 =	seq.s32 s7, s2  }
0x1e: {  	s7 =	smul.u32 @!p0 $0xF7A, s2;
	p2 =	seq.s32 @!p0 s5, $0x0  }
0x1f: {  	s9 =	smul.u32 $0xF7A, s1;
	s8 =	simm.s32 @!p0 $0x1BF5;
	p2 =	por !p2, p0  }
0x20: {  	[sflag:s8] =	ssyncset.s32 @!p0 $0xFFFFF086;
	s6 =	sadd.s32 @!p0 s3, s7;
	s7 =	simm.s32 @!p0 $0x108  }
0x21: {  	s3 =	sadd.s32 s3, s9;
	s6 =	sadd.s32 @!p0 $0x88, s6;
	s7 =	simm.s32 @p2 $0x1082  }
0x22: {  	[simem:s7], [sflag:s8] =	dma.local @!p0 [hbm:s6], $0xF7A  }
0x23: {  	s9 =	sor.u32 $0xD0000000, s2;
	s6 =	simm.s32 $0x108;
	_ =	swait.ge @!p0 [sflag:s8], $0x0  }
0x24: {  	s3 =	sadd.s32 $0x88, s3;
	s6 =	simm.s32 @!p1 $0x1082;
	[sflag:s4] =	ssyncset.s32 $0xFFFFF086  }
0x25: {  	[simem:s6], [sflag:s4] =	dma.local [hbm:s3], $0xF7A  }
0x26: {  	[smem:$0x3F9B] =	sst s1;
	(tag) =	ssettag s2;
	_ =	strace s9  }
0x27: {  	s1 =	sld [smem:$0x3FAB]  }
0x28: {  	s2 =	sld [smem:$0x3FAC]  }
0x29: {  	s4 =	sld [smem:$0x3FAE]  }
0x2a: {  	p0 =	seq.s32 s5, $0x0;
	s5 =	sld [smem:$0x3FAF]  }
0x2b: {  	s6 =	sld [smem:$0x3FB0]  }
0x2c: {  	s7 =	sld [smem:$0x3FB1]  }
0x2d: {  	s3 =	simm.s32 $0x108;
	s8 =	sld [smem:$0x3FB2]  }
0x2e: {  	s3 =	simm.s32 @!p0 $0x1082;
	s9 =	sld [smem:$0x3FB3]  }
0x2f: {  	lr =	sadd.s32 s0, s3;
	s0 =	sld [smem:$0x3FAA]  }
0x30: {  	s3 =	sld [smem:$0x3FAD]  }
0x31: {  	[smem:$0x3FB6] =	sst s10  }
0x32: {  	s10 =	sld [smem:$0x3FB4];
	_ =	sdelay $0x3  }
0x33: {  	p0 =	seq.s32 s10, $0x1;
	s10 =	sld [smem:$0x3FB6];
	_ =	sdelay $0x3  }
0x34: {  	[smem:$0x3FB6] =	sst s10  }
0x35: {  	s10 =	sld [smem:$0x3FB5];
	_ =	sdelay $0x3  }
0x36: {  	p1 =	seq.s32 s10, $0x1;
	s10 =	sld [smem:$0x3FB6];
	_ =	sdelay $0x3  }
0x37: {  	[smem:$0x3FB6] =	sst s10  }
0x38: {  	s10 =	sld [smem:$0x3FB7]  }
0x39: {  	_ = 	snop;
	(pc) =	sbr.ind lr, $3  }
0x3a: {  	_ = 	snop  }
0x3b: {  	_ = 	snop  }
0x3c: {  	p2 =	seq.s32 s10, $0x1;
	s10 =	sld [smem:$0x3FB6]  }
0x3d: {  	_ =	shalt  }
0x3e: {  	_ =	shalt  }
0x3f: {  	_ =	shalt  }
0x40: {  	_ =	shalt  }
0x41: {  	_ =	shalt  }
0x42: {  	_ =	shalt  }
0x43: {  	_ =	shalt  }
0x44: {  	_ =	shalt  }
0x45: {  	_ =	shalt  }
0x46: {  	_ =	shalt  }
0x47: {  	_ =	shalt  }
0x48: {  	_ =	shalt  }
0x49: {  	_ =	shalt  }
0x4a: {  	_ =	shalt  }
0x4b: {  	_ =	shalt  }
0x4c: {  	_ =	shalt  }
0x4d: {  	_ =	shalt  }
0x4e: {  	_ =	shalt  }
0x4f: {  	_ =	shalt  }
0x50: {  	_ =	shalt  }
0x51: {  	_ =	shalt  }
0x52: {  	_ =	shalt  }
0x53: {  	_ =	shalt  }
0x54: {  	_ =	shalt  }
0x55: {  	_ =	shalt  }
0x56: {  	_ =	shalt  }
0x57: {  	_ =	shalt  }
0x58: {  	_ =	shalt  }
0x59: {  	_ =	shalt  }
0x5a: {  	_ =	shalt  }
0x5b: {  	_ =	shalt  }
0x5c: {  	_ =	shalt  }
0x5d: {  	_ =	shalt  }
0x5e: {  	_ =	shalt  }
0x5f: {  	_ =	shalt  }
0x60: {  	_ =	shalt  }
0x61: {  	_ =	shalt  }
0x62: {  	_ =	shalt  }
0x63: {  	_ =	shalt  }
0x64: {  	_ =	shalt  }
0x65: {  	_ =	shalt  }
0x66: {  	_ =	shalt  }
0x67: {  	_ =	shalt  }
0x68: {  	_ =	shalt  }
0x69: {  	_ =	shalt  }
0x6a: {  	_ =	shalt  }
0x6b: {  	_ =	shalt  }
0x6c: {  	_ =	shalt  }
0x6d: {  	_ =	shalt  }
0x6e: {  	_ =	shalt  }
0x6f: {  	_ =	shalt  }
0x70: {  	_ =	shalt  }
0x71: {  	_ =	shalt  }
0x72: {  	_ =	shalt  }
0x73: {  	_ =	shalt  }
0x74: {  	_ =	shalt  }
0x75: {  	_ =	shalt  }
0x76: {  	_ =	shalt  }
0x77: {  	_ =	shalt  }
0x78: {  	_ =	shalt  }
0x79: {  	_ =	shalt  }
0x7a: {  	_ =	shalt  }
0x7b: {  	_ =	shalt  }
0x7c: {  	_ =	shalt  }
0x7d: {  	_ =	shalt  }
0x7e: {  	_ =	shalt  }
0x7f: {  	_ =	shalt  }
0x80: {  	_ =	shalt  }
0x81: {  	_ =	shalt  }
0x82: {  	_ =	shalt  }
0x83: {  	_ =	shalt  }
0x84: {  	_ =	shalt  }
0x85: {  	_ =	shalt  }
0x86: {  	_ =	shalt  }
0x87: {  	_ =	shalt  }
.Lfunc_end0:
.L_simem_size_0:
called_computation_lowered:
.L_overlay_start_0:
0x88: {  	s2 =	sld [smem:$0x3FD9]  }
0x89: {  	s3 =	sld [smem:$0x3FFE];
	_ =	sdelay $0x1  }
0x8a: {  	s1 =	srdreg.scid  }
0x8b: {  	s0 =	sand.u32 $0x1, s1  }
0x8c: {  	s17 =	sshll.u32 s0, $0xA;
	s2 =	sadd.s32 s3, s2  }
0x8d: {  	s2 =	sadd.s32 s2, s17  }
0x8e: {  	[smem:$0x3FC2] =	sst s2  }
0x8f: {  	_ = 	snop  }
0x90: {  	s2 =	sld [smem:$0x3FD0];
	(tm) =	ssettm $0x1  }
0x91: {  	s18 =	sld [smem:$0x3FFB];
	_ =	sdelay $0x3  }
0x92: {  	_ =	strace s18  }
0x93: {  	s3 =	sld [smem:$0x3FFC];
	_ =	sdelay $0x3  }
0x94: {  	_ =	strace s3  }
0x95: {  	s3 =	sld [smem:$0x3FFD];
	_ =	sdelay $0x3  }
0x96: {  	_ =	strace s3  }
0x97: {  	_ =	strace $0x8FFFFFFF  }
0x98: {  	s19 =	sld [smem:$0x3FDB];
	_ =	sdelay $0x1  }
0x99: {  	s4 =	simm.s32 $_scs_section_size  }
0x9a: {  	s5 =	simm.s32 $_size__tile_overlayer_lowered;
	s6 =	simm.s32 $_tile_overlayer_lowered  }
0x9b: {  	s22 =	simm.s32 $0x1BFF;
	s21 =	sshll.u32 s6, $0x1;
	s3 =	sadd.s32 s4, s19  }
0x9c: {  	s7 =	simm.s32 $0x0;
	s20 =	sshll.u32 s5, $0x1;
	s5 =	sadd.s32 s21, s3  }
0x9d: {  	[timem:s7], [sflag:s22] =	dma.local [hbm:s5], s20  }
0x9e: {  	_ =	swait.ge [sflag:s22], s20  }
0x9f: {  	s4 =	ssub.s32 $0x0, s20;
	[sflag:s22] =	ssyncset.done $0x0  }
0xa0: {  	[sflag:s22] =	ssyncadd.s32 s4;
	_ =	sdelay $0x1  }
0xa1: {  	s23 =	simm.s32 $0x1B8B  }
0xa2: {  	_ =	swait.ge [sflag:s23], $0x1  }
0xa3: {  	[sflag:s23] =	ssyncset.done $0x0  }
0xa4: {  	s25 =	simm.s32 $0x1B8E;
	s24 =	sld [smem:$0x3FFE];
	[sflag:s23] =	ssyncadd.s32 $0xFFFFFFFF  }
0xa5: {  	s26 =	simm.s32 $execute0_lowered;
	[smem:$0x3FD2] =	sst s25  }
0xa6: {  	s5 =	sshll.u32 s26, $0x1;
	_ =	strace $0x80000046;
	[dreg:$0x1] =	wrdreg $0xFFFFFFFF  }
0xa7: {  	s28 =	simm.s32 $_size_execute0_lowered;
	s3 =	sadd.s32 s3, s5;
	[dreg:$0x0] =	wrdreg $0x0  }
0xa8: {  	s5 =	sshll.u32 s28, $0x1;
	[dreg:$0x2] =	wrdreg s3  }
0xa9: {  	[dreg:$0x3] =	wrdreg s5  }
0xaa: {  	[dreg:$0x4] =	wrdreg $0xC0  }
0xab: {  	_ =	task [dreg:s7], $0x5FFFF  }
0xac: {  	[dreg:$0x1] =	wrdreg $0xFFFFFFFF  }
0xad: {  	[dreg:$0x0] =	wrdreg $0x60  }
0xae: {  	[dreg:$0x2] =	wrdreg s24  }
0xaf: {  	[dreg:$0x3] =	wrdreg s2  }
0xb0: {  	[dreg:$0x4] =	wrdreg $0x9  }
0xb1: {  	_ =	task.clear_ibuf [dreg:s7], $0x5FFFF;
	_ =	strace $0x90000046  }
0xb2: {  	s29 =	simm.s32 $0x9;
	_ =	strace $0x80000048  }
0xb3: {  	_ =	swait.ge [sflag:s29], $0x1  }
0xb4: {  	[sflag:s29] =	ssyncadd.s32 $0xFFFFFFFF  }
0xb5: {  	_ =	strace $0x90000048  }
0xb6: {  	_ =	sfence  }
0xb7: {  	s30 =	sld [smem:$0x0];
	_ =	sdelay $0x2  }
0xb8: {  	s31 =	sshll.u32 s1, $0xD;
	s1 =	sshrl.u32 s1, $0x2  }
0xb9: {  	s3 =	sand.u32 $0x4000, s31;
	s1 =	sadd.s32 s1, s30  }
0xba: {  	s0 =	sor.u32 s3, s0;
	s1 =	sshll.u32 s1, $0x11  }
0xbb: {  	s0 =	sor.u32 s1, s0  }
0xbc: {  	s0 =	sadd.s32 $0x8F2B, s0  }
0xbd: {  	[sflag:s0] =	ssyncadd.remote.s32 $0x1  }
0xbe: {  	_ =	sfence.sel $0xFFFF  }
0xbf: {  	[dreg:$0x0] =	wrdreg $0xFFFFFFFF;
	(pc) =	sbr.abs _section_cstart, $3  }
0xc0: {  	[dreg:$0x1] =	wrdreg $0xFFFFFFFF  }
0xc1: {  	_ =	task.clear_ibuf [dreg:s7], $0x2FFFF;
	_ =	strace $0x9FFFFFFF  }
0xc2: {  	(tm) =	ssettm $0x7FFFFFFF  }
0xc3: {  	_ =	shalt  }
tec
execute0_lowered:
.L_overlay_start_1:
0x0: {  	(tag) =	ssettag $0x1  }
0x1: {  	s4 =	rddreg [dreg:$0x0];
	s1 =	srdreg.scid  }
0x2: {  	s0 =	stileid.u32;
	s5 =	rddreg [dreg:$0x1]  }
0x3: {  	s2 =	simm.s32 $0x0;
	s9 =	simm.s32 $0x1900;
	s10 =	simm.s32 $0xE100  }
0x4: {  	s11 =	simm.s32 $0x1;
	s12 =	simm.s32 $0x2;
	s13 =	simm.s32 $0x100  }
0x5: {  	s14 =	simm.s32 $0x2000;
	s15 =	simm.s32 $0x1A900;
	s16 =	simm.s32 $0x0  }
0x6: {  	v0 =	vlaneseq.u32;
	vm0 =	vmmov $0x1;
	vm1 =	vmmov $0x3;
	s3 =	sand.u32 $0x1, s1;
	s6 =	sshll.u32 s0, $0x1;
	[smem:$0x7FF] =	sst s2  }
0x7: {  	vm2 =	vmmov $0x7;
	vm3 =	vmmov $0xf;
	vm4 =	vmmov $0x1f;
	s1 =	rddreg [dreg:$0x2];
	s6 =	sor.u32 s3, s6;
	_ =	strace $0x80000047  }
0x8: {  	vm5 =	vmmov $0x3f;
	vm6 =	vmmov $0x7f;
	vm7 =	vmmov $0xff;
	s8 =	ssub.s32 $0x2, s3;
	s7 =	smul.u32 $0x320, s6;
	s6 =	sshll.u32 s6, $0x5  }
0x9: {  	vm8 =	vmmov $0x1ff;
	vm9 =	vmmov $0x3ff;
	v0 =	vmul.u32 $0xFFFFFFFF, v0;
	s3 =	sadd.s32 $0x6E00, s4;
	s31 =	sshrl.u32 s8, $0x1;
	s5 =	sadd.s32 s5, s6  }
0xa: {  	vm10 =	vmmov $0x7ff;
	vm11 =	vmmov $0xfff;
	vm12 =	vmmov $0x1fff;
	s4 =	sadd.s32 s7, s4;
	s7 =	ssub.s32 s8, s31;
	s8 =	simm.s32 $0xC80  }
0xb: {  	vm13 =	vmmov $0x3fff;
	vm14 =	vmmov $0x7fff;
	v0 =	vadd.s32 $0xF, v0;
	s4 =	sadd.s32 $0xA00, s4;
	s6 =	smax.u32 s7, $0x1;
	s7 =	simm.s32 $0x3  }
.LBB2_1:
0xc: {  	[tilespmem:s2], [sflag:$0x3] =	stream.linear.gather [hbm4b:s4+s2], $0x1900, $0x38;
	[tilespmem:$0x1DB00] =	vst v63  }
0xd: {  	_ =	swait.ge [sflag:s7], $0x1900  }
0xe: {  	[sflag:s7] =	ssyncset.done $0x0  }
0xf: {  	s22 =	simm.s32 $0x20;
	[sflag:s7] =	ssyncadd.s32 $0xFFFFE700  }
0x10: {  	v1 =	vld [tilespmem:s22+$0xFFFFFFF0];
	_ =	sdelay $0x1  }
0x11: {  	s21 =	simm.s32 $0x60  }
0x12: {  	v2 =	vld [tilespmem:s21+$0xFFFFFFF0];
	_ =	sdelay $0x1  }
0x13: {  	v3 =	vshll.u32 v1, $0x3  }
0x14: {  	v4 =	vand.u32 $0xFFFFE000, v1;
	v1 =	vshrl.u32 v1, $0xA;
	v3 =	vand.u32 $0x1FF8, v3  }
0x15: {  	v1 =	vand.u32 $0x7, v1;
	v3 =	vor.u32 v4, v3  }
0x16: {  	v1 =	vor.u32 v1, v3;
	v3 =	vshll.u32 v2, $0x3  }
0x17: {  	s20 =	simm.s32 $0xA0;
	[tilespmem:s22+$0xFFFFFFF0] =	vst v1;
	v1 =	vand.u32 $0xFFFFE000, v2;
	v3 =	vand.u32 $0x1FF8, v3;
	v2 =	vshrl.u32 v2, $0xA  }
0x18: {  	v1 =	vor.u32 v1, v3;
	v2 =	vand.u32 $0x7, v2;
	v3 =	vld [tilespmem:s20+$0xFFFFFFF0]  }
0x19: {  	v1 =	vor.u32 v2, v1  }
0x1a: {  	s19 =	simm.s32 $0xE0;
	[tilespmem:s21+$0xFFFFFFF0] =	vst v1  }
0x1b: {  	v1 =	vld [tilespmem:s19+$0xFFFFFFF0];
	_ =	sdelay $0x1  }
0x1c: {  	v2 =	vshll.u32 v3, $0x3  }
0x1d: {  	v4 =	vand.u32 $0xFFFFE000, v3;
	v3 =	vshrl.u32 v3, $0xA;
	v2 =	vand.u32 $0x1FF8, v2  }
0x1e: {  	v3 =	vand.u32 $0x7, v3;
	v2 =	vor.u32 v4, v2  }
0x1f: {  	v2 =	vor.u32 v3, v2;
	v3 =	vshll.u32 v1, $0x3  }
0x20: {  	s18 =	simm.s32 $0x120;
	[tilespmem:s20+$0xFFFFFFF0] =	vst v2;
	v2 =	vand.u32 $0xFFFFE000, v1;
	v3 =	vand.u32 $0x1FF8, v3;
	v1 =	vshrl.u32 v1, $0xA  }
0x21: {  	v2 =	vor.u32 v2, v3;
	v1 =	vand.u32 $0x7, v1;
	v3 =	vld [tilespmem:s18+$0xFFFFFFF0]  }
0x22: {  	v1 =	vor.u32 v1, v2  }
0x23: {  	[tilespmem:s19+$0xFFFFFFF0] =	vst v1  }
0x24: {  	v1 =	vld [tilespmem:s22+$0xFFFFFFE0];
	_ =	sdelay $0x1  }
0x25: {  	v2 =	vshll.u32 v3, $0x3  }
0x26: {  	v5 =	vld [tilespmem:s22+$0x10];
	v4 =	vand.u32 $0xFFFFE000, v3;
	v3 =	vshrl.u32 v3, $0xA;
	v2 =	vand.u32 $0x1FF8, v2  }
0x27: {  	s17 =	simm.s32 $0x160;
	v3 =	vand.u32 $0x7, v3;
	v2 =	vor.u32 v4, v2  }
0x28: {  	v2 =	vor.u32 v3, v2;
	v3 =	vld [tilespmem:s17+$0xFFFFFFF0];
	v4 =	vshll.u32 v1, $0x3  }
0x29: {  	v6 =	vand.u32 $0xFFFFE000, v1;
	v1 =	vshrl.u32 v1, $0xA;
	v4 =	vand.u32 $0x1FF8, v4  }
0x2a: {  	[tilespmem:s18+$0xFFFFFFF0] =	vst v2;
	v1 =	vand.u32 $0x7, v1;
	v2 =	vor.u32 v6, v4  }
0x2b: {  	v6 =	vld [tilespmem:s22+$0x0];
	v4 =	vshrl.u32 v5, $0xA;
	v1 =	vor.u32 v1, v2;
	v2 =	vshll.u32 v5, $0x3  }
0x2c: {  	v5 =	vand.u32 $0xFFFFE000, v5;
	v4 =	vand.u32 $0x7, v4;
	v2 =	vand.u32 $0x1FF8, v2;
	[tilespmem:s22+$0xFFFFFFE0] =	vst v1  }
0x2d: {  	v1 =	vand.u32 $0xFFFFE000, v3;
	v7 =	vshll.u32 v3, $0x3;
	v5 =	vor.u32 v5, v2;
	v2 =	vld [tilespmem:s21+$0xFFFFFFE0]  }
0x2e: {  	v8 =	vshrl.u32 v3, $0xA;
	v7 =	vand.u32 $0x1FF8, v7;
	v4 =	vor.u32 v4, v5  }
0x2f: {  	v5 =	vand.u32 $0x7, v8;
	v3 =	vor.u32 v1, v7;
	[tilespmem:s22+$0x10] =	vst v4  }
0x30: {  	s23 =	simm.s32 $0x14;
	s24 =	simm.s32 $0x1A0;
	v4 =	vand.u32 $0xFFFFE000, v6;
	v7 =	vshll.u32 v6, $0x3;
	v6 =	vshrl.u32 v6, $0xA;
	v1 =	vld [tilespmem:s21+$0x10]  }
.LBB2_2:
0x31: {  	s23 =	sadd.s32 $0x4, s23;
	v3 =	vor.u32 v5, v3;
	v5 =	vand.u32 $0x1FF8, v7;
	v6 =	vand.u32 $0x7, v6  }
0x32: {  	v7 =	vld [tilespmem:s24+$0xFFFFFFF0];
	p0 =	slt.u32 s23, $0x18C;
	[tilespmem:s17+$0xFFFFFFF0] =	vst v3;
	v3 =	vand.u32 $0xFFFFE000, v2;
	v8 =	vshll.u32 v2, $0x3;
	v4 =	vor.u32 v4, v5  }
0x33: {  	v2 =	vshrl.u32 v2, $0xA;
	v5 =	vand.u32 $0x1FF8, v8;
	v4 =	vor.u32 v6, v4  }
0x34: {  	v2 =	vand.u32 $0x7, v2;
	v3 =	vor.u32 v3, v5;
	[tilespmem:s22+$0x0] =	vst v4;
	s22 =	smov.u32 s21;
	s21 =	smov.u32 s20;
	s20 =	smov.u32 s19  }
0x35: {  	s19 =	smov.u32 s18;
	s18 =	smov.u32 s17;
	s17 =	smov.u32 s24;
	v2 =	vor.u32 v2, v3;
	v6 =	vld [tilespmem:s22+$0x0];
	v3 =	vshll.u32 v1, $0x3;
	v4 =	vshrl.u32 v1, $0xA  }
.Ltmp0:
0x36: {  	v1 =	vand.u32 $0xFFFFE000, v1;
	[tilespmem:s22+$0xFFFFFFE0] =	vst v2;
	v3 =	vand.u32 $0x1FF8, v3;
	v4 =	vand.u32 $0x7, v4;
	(pc) =	sbr.rel @p0 .LBB2_2-.Ltmp0, $4  }
0x37: {  	v5 =	vand.u32 $0xFFFFE000, v7;
	v8 =	vshll.u32 v7, $0x3;
	v2 =	vld [tilespmem:s21+$0xFFFFFFE0];
	v1 =	vor.u32 v1, v3  }
0x38: {  	v7 =	vshrl.u32 v7, $0xA;
	v3 =	vand.u32 $0x1FF8, v8;
	v1 =	vor.u32 v4, v1  }
0x39: {  	v3 =	vor.u32 v5, v3;
	v5 =	vand.u32 $0x7, v7;
	[tilespmem:s22+$0x10] =	vst v1  }
0x3a: {  	s24 =	sadd.s32 $0x40, s24;
	v1 =	vld [tilespmem:s21+$0x10];
	v4 =	vand.u32 $0xFFFFE000, v6;
	v7 =	vshll.u32 v6, $0x3;
	v6 =	vshrl.u32 v6, $0xA  }
0x3b: {  	v7 =	vand.u32 $0x1FF8, v7  }
0x3c: {  	v3 =	vor.u32 v5, v3;
	v5 =	vand.u32 $0x7, v6;
	v4 =	vor.u32 v4, v7  }
0x3d: {  	[tilespmem:s17+$0xFFFFFFF0] =	vst v3;
	v3 =	vor.u32 v5, v4  }
0x3e: {  	v4 =	vshll.u32 v2, $0x3;
	[tilespmem:s22+$0x0] =	vst v3  }
0x3f: {  	v3 =	vand.u32 $0xFFFFE000, v2;
	v4 =	vand.u32 $0x1FF8, v4;
	v2 =	vshrl.u32 v2, $0xA;
	v5 =	vld [tilespmem:s21+$0x0]  }
0x40: {  	v3 =	vor.u32 v3, v4;
	v2 =	vand.u32 $0x7, v2  }
0x41: {  	v2 =	vor.u32 v2, v3;
	v3 =	vshll.u32 v1, $0x3  }
0x42: {  	v4 =	vshrl.u32 v1, $0xA;
	v1 =	vand.u32 $0xFFFFE000, v1;
	[tilespmem:s21+$0xFFFFFFE0] =	vst v2;
	v2 =	vand.u32 $0x1FF8, v3  }
0x43: {  	v3 =	vand.u32 $0x7, v4;
	v4 =	vld [tilespmem:s20+$0xFFFFFFE0];
	v1 =	vor.u32 v1, v2  }
0x44: {  	v1 =	vor.u32 v3, v1;
	v2 =	vshll.u32 v5, $0x3  }
0x45: {  	[tilespmem:s21+$0x10] =	vst v1;
	v1 =	vand.u32 $0xFFFFE000, v5;
	v3 =	vshrl.u32 v5, $0xA;
	v2 =	vand.u32 $0x1FF8, v2  }
0x46: {  	v5 =	vld [tilespmem:s20+$0x10];
	v3 =	vand.u32 $0x7, v3;
	v1 =	vor.u32 v1, v2  }
0x47: {  	v1 =	vor.u32 v3, v1  }
0x48: {  	v2 =	vshll.u32 v4, $0x3;
	[tilespmem:s21+$0x0] =	vst v1  }
0x49: {  	v3 =	vshrl.u32 v4, $0xA;
	v1 =	vand.u32 $0xFFFFE000, v4;
	v2 =	vand.u32 $0x1FF8, v2;
	v4 =	vld [tilespmem:s20+$0x0]  }
0x4a: {  	v1 =	vor.u32 v1, v2;
	v2 =	vand.u32 $0x7, v3  }
0x4b: {  	v1 =	vor.u32 v2, v1;
	v2 =	vshll.u32 v5, $0x3  }
0x4c: {  	v3 =	vshrl.u32 v5, $0xA;
	[tilespmem:s20+$0xFFFFFFE0] =	vst v1;
	v1 =	vand.u32 $0xFFFFE000, v5;
	v2 =	vand.u32 $0x1FF8, v2  }
0x4d: {  	v3 =	vand.u32 $0x7, v3;
	v5 =	vld [tilespmem:s19+$0xFFFFFFE0];
	v1 =	vor.u32 v1, v2  }
0x4e: {  	v1 =	vor.u32 v3, v1;
	v2 =	vshll.u32 v4, $0x3  }
0x4f: {  	[tilespmem:s20+$0x10] =	vst v1;
	v1 =	vand.u32 $0xFFFFE000, v4;
	v3 =	vshrl.u32 v4, $0xA;
	v2 =	vand.u32 $0x1FF8, v2  }
0x50: {  	v4 =	vld [tilespmem:s19+$0x10];
	v3 =	vand.u32 $0x7, v3;
	v1 =	vor.u32 v1, v2  }
0x51: {  	v1 =	vor.u32 v3, v1  }
0x52: {  	v2 =	vshll.u32 v5, $0x3;
	[tilespmem:s20+$0x0] =	vst v1  }
0x53: {  	v3 =	vshrl.u32 v5, $0xA;
	v1 =	vand.u32 $0xFFFFE000, v5;
	v2 =	vand.u32 $0x1FF8, v2;
	v5 =	vld [tilespmem:s19+$0x0]  }
0x54: {  	v1 =	vor.u32 v1, v2;
	v2 =	vand.u32 $0x7, v3  }
0x55: {  	v1 =	vor.u32 v2, v1;
	v2 =	vshll.u32 v4, $0x3  }
0x56: {  	v3 =	vshrl.u32 v4, $0xA;
	[tilespmem:s19+$0xFFFFFFE0] =	vst v1;
	v1 =	vand.u32 $0xFFFFE000, v4;
	v2 =	vand.u32 $0x1FF8, v2  }
0x57: {  	v3 =	vand.u32 $0x7, v3;
	v4 =	vld [tilespmem:s18+$0xFFFFFFE0];
	v1 =	vor.u32 v1, v2  }
0x58: {  	v1 =	vor.u32 v3, v1;
	v2 =	vshll.u32 v5, $0x3  }
0x59: {  	[tilespmem:s19+$0x10] =	vst v1;
	v1 =	vand.u32 $0xFFFFE000, v5;
	v3 =	vshrl.u32 v5, $0xA;
	v2 =	vand.u32 $0x1FF8, v2  }
0x5a: {  	v5 =	vld [tilespmem:s18+$0x10];
	v3 =	vand.u32 $0x7, v3;
	v1 =	vor.u32 v1, v2  }
0x5b: {  	v1 =	vor.u32 v3, v1  }
0x5c: {  	v2 =	vshll.u32 v4, $0x3;
	[tilespmem:s19+$0x0] =	vst v1  }
0x5d: {  	v3 =	vshrl.u32 v4, $0xA;
	v1 =	vand.u32 $0xFFFFE000, v4;
	v2 =	vand.u32 $0x1FF8, v2;
	v4 =	vld [tilespmem:s18+$0x0]  }
0x5e: {  	v1 =	vor.u32 v1, v2;
	v2 =	vand.u32 $0x7, v3  }
0x5f: {  	v1 =	vor.u32 v2, v1;
	v2 =	vshll.u32 v5, $0x3  }
0x60: {  	v3 =	vshrl.u32 v5, $0xA;
	v5 =	vand.u32 $0xFFFFE000, v5;
	v2 =	vand.u32 $0x1FF8, v2  }
0x61: {  	[tilespmem:s18+$0xFFFFFFE0] =	vst v1;
	v1 =	vand.u32 $0x7, v3;
	v2 =	vor.u32 v5, v2  }
0x62: {  	v3 =	vld [tilespmem:s17+$0xFFFFFFE0];
	v1 =	vor.u32 v1, v2;
	v2 =	vshll.u32 v4, $0x3  }
0x63: {  	v5 =	vand.u32 $0xFFFFE000, v4;
	v4 =	vshrl.u32 v4, $0xA;
	v2 =	vand.u32 $0x1FF8, v2  }
0x64: {  	[tilespmem:s18+$0x10] =	vst v1;
	v1 =	vand.u32 $0x7, v4;
	v2 =	vor.u32 v5, v2  }
0x65: {  	v4 =	vld [tilespmem:s17+$0x10];
	v1 =	vor.u32 v1, v2  }
0x66: {  	[tilespmem:s18+$0x0] =	vst v1  }
0x67: {  	v1 =	vshll.u32 v3, $0x3;
	v2 =	vld [tilespmem:s17+$0x0]  }
0x68: {  	v5 =	vand.u32 $0xFFFFE000, v3;
	v3 =	vshrl.u32 v3, $0xA;
	v1 =	vand.u32 $0x1FF8, v1  }
0x69: {  	v3 =	vand.u32 $0x7, v3;
	v1 =	vor.u32 v5, v1  }
0x6a: {  	v1 =	vor.u32 v3, v1;
	v3 =	vshll.u32 v4, $0x3  }
0x6b: {  	v5 =	vshrl.u32 v4, $0xA;
	v4 =	vand.u32 $0xFFFFE000, v4;
	v3 =	vand.u32 $0x1FF8, v3  }
0x6c: {  	v5 =	vand.u32 $0x7, v5;
	v3 =	vor.u32 v4, v3;
	v4 =	vshll.u32 v2, $0x3  }
0x6d: {  	v6 =	vand.u32 $0xFFFFE000, v2;
	v2 =	vshrl.u32 v2, $0xA;
	v4 =	vand.u32 $0x1FF8, v4  }
0x6e: {  	[tilespmem:s17+$0xFFFFFFE0] =	vst v1;
	v1 =	vor.u32 v5, v3;
	v2 =	vand.u32 $0x7, v2;
	v3 =	vor.u32 v6, v4  }
0x6f: {  	[tilespmem:s17+$0x10] =	vst v1;
	v1 =	vor.u32 v2, v3  }
0x70: {  	[tilespmem:s17+$0x0] =	vst v1;
	s17 =	simm.s32 $0x0  }
0x71: {  	[tilespmem:s9], [sflag:$0x1] =	stream.indirect.gather [hbm4b:s3+s8], $0x10, s2, s8, $0xb8;
	[tilespmem:$0x1DB00] =	vst v63  }
0x72: {  	s26 =	sand.u32 $0x2, s17  }
0x73: {  	s28 =	smul.u32 $0x320, s26  }
0x74: {  	[tilespmem:s10], [sflag:$0x2] =	stream.indirect.gather [hbm4b:s3+s8], $0x10, s8, s8, $0xb8;
	[tilespmem:$0x1DB00] =	vst v63  }
0x75: {  	_ =	swait.ge [sflag:s11], $0xC800;
	s18 =	sadd.s32 $0x0, s28  }
0x76: {  	[sflag:s11] =	ssyncset.done $0x0;
	s18 =	sshll.u32 s18, $0x4  }
0x77: {  	[sflag:s11] =	ssyncadd.s32 $0xFFFF3800;
	s18 =	sand.u32 $0x3FFFFFF0, s18  }
0x78: {  	v1 =	vld [tilespmem:s18+$0x2260]  }
0x79: {  	v2 =	vld [tilespmem:s18+$0x1C20]  }
0x7a: {  	v3 =	vld [tilespmem:s18+$0x1900]  }
0x7b: {  	v4 =	vld [tilespmem:s18+$0x1F40]  }
0x7c: {  	v5 =	vld [tilespmem:s18+$0x28A0]  }
0x7d: {  	v6 =	vld [tilespmem:s18+$0x2580]  }
0x7e: {  	v8 =	vld [tilespmem:s18+$0x2EE0];
	v7 =	vperm.xlane v2, v0  }
0x7f: {  	v10 =	vld [tilespmem:s18+$0x2BC0];
	v9 =	vperm.xlane v3, v0  }
0x80: {  	v12 =	vld [tilespmem:s18+$0x3520];
	v11 =	vperm.xlane v1, v0;
	v3 =	vsel vm0, v3, v7;
	v7 =	vperm.xlane v4, v0  }
0x81: {  	v2 =	vsel vm0, v9, v2;
	v9 =	vld [tilespmem:s18+$0x3200];
	v3 =	vsel vm1, v3, v4;
	v4 =	vperm.xlane v5, v0  }
0x82: {  	v2 =	vsel vm1, v2, v7;
	v3 =	vsel vm2, v3, v11;
	v7 =	vperm.xlane v6, v0;
	v11 =	vld [tilespmem:s18+$0x3B60]  }
0x83: {  	v1 =	vsel vm2, v2, v1;
	v2 =	vsel vm3, v3, v6;
	v3 =	vperm.xlane v8, v0;
	v6 =	vld [tilespmem:s18+$0x3840]  }
0x84: {  	v1 =	vsel vm3, v1, v7;
	v2 =	vsel vm4, v2, v4;
	v4 =	vperm.xlane v10, v0;
	v7 =	vld [tilespmem:s18+$0x41A0]  }
0x85: {  	v1 =	vsel vm4, v1, v5;
	v2 =	vsel vm5, v2, v10;
	v5 =	vperm.xlane v12, v0;
	v10 =	vld [tilespmem:s18+$0x3E80]  }
0x86: {  	v1 =	vsel vm5, v1, v4;
	v2 =	vsel vm6, v2, v3;
	v3 =	vperm.xlane v9, v0;
	v4 =	vld [tilespmem:s18+$0x47E0]  }
0x87: {  	v1 =	vsel vm6, v1, v8;
	v2 =	vsel vm7, v2, v9;
	v8 =	vperm.xlane v11, v0;
	v9 =	vld [tilespmem:s18+$0x44C0]  }
0x88: {  	v1 =	vsel vm7, v1, v3;
	v2 =	vsel vm8, v2, v5;
	v3 =	vperm.xlane v6, v0  }
0x89: {  	v1 =	vsel vm8, v1, v12;
	v2 =	vsel vm9, v2, v6;
	v5 =	vperm.xlane v7, v0  }
0x8a: {  	v1 =	vsel vm9, v1, v3;
	v2 =	vsel vm10, v2, v8;
	v3 =	vperm.xlane v10, v0  }
0x8b: {  	s29 =	simm.s32 $0x0;
	s30 =	sor.u32 $0x1, s26;
	v1 =	vsel vm10, v1, v11;
	v2 =	vsel vm11, v2, v10;
	v6 =	vperm.xlane v4, v0  }
0x8c: {  	s31 =	smul.u32 $0x320, s30;
	s18 =	sand.u32 $0x3FFFFF00, s29;
	v1 =	vsel vm11, v1, v3;
	v2 =	vsel vm12, v2, v5;
	v3 =	vperm.xlane v9, v0  }
0x8d: {  	s19 =	sshll.u32 s26, $0x4;
	s18 =	sadd.s32 $0x1A900, s18;
	v1 =	vsel vm12, v1, v7;
	v2 =	vsel vm13, v2, v9  }
0x8e: {  	s21 =	sadd.s32 $0x0, s31;
	s19 =	sor.u32 s19, s18;
	v1 =	vsel vm13, v1, v3;
	v2 =	vsel vm14, v2, v6  }
0x8f: {  	s21 =	sshll.u32 s21, $0x4;
	v1 =	vsel vm14, v1, v4;
	[tilespmem:s19+$0x0] =	vst v2  }
0x90: {  	s22 =	sand.u32 $0x3FFFFFF0, s21;
	[tilespmem:s19+$0x80] =	vst v1  }
0x91: {  	v7 =	vld [tilespmem:s22+$0x1900]  }
0x92: {  	v4 =	vld [tilespmem:s22+$0x1C20]  }
0x93: {  	v3 =	vld [tilespmem:s22+$0x2260]  }
0x94: {  	v6 =	vld [tilespmem:s22+$0x1F40]  }
0x95: {  	v2 =	vld [tilespmem:s22+$0x28A0]  }
0x96: {  	v5 =	vld [tilespmem:s22+$0x2580];
	v8 =	vperm.xlane v7, v0  }
0x97: {  	v1 =	vld [tilespmem:s22+$0x2EE0];
	v10 =	vperm.xlane v4, v0  }
0x98: {  	s19 =	sshll.u32 s30, $0x4;
	v9 =	vperm.xlane v3, v0;
	v8 =	vsel vm0, v8, v4;
	v4 =	vld [tilespmem:s22+$0x2BC0]  }
.LBB2_4:
0x99: {  	s17 =	sadd.s32 $0x2, s17;
	v7 =	vsel vm0, v7, v10;
	v10 =	vperm.xlane v6, v0;
	v11 =	vld [tilespmem:s22+$0x3520]  }
0x9a: {  	s20 =	sand.u32 $0x2, s17;
	s21 =	sshll.u32 s17, $0x6;
	p0 =	slt.u32 s17, $0xC6;
	v6 =	vsel vm1, v7, v6;
	v7 =	vperm.xlane v2, v0;
	v12 =	vld [tilespmem:s22+$0x3200]  }
0x9b: {  	s23 =	smul.u32 $0x320, s20;
	s21 =	sand.u32 $0x3FFFFF00, s21;
	s24 =	sor.u32 $0x1, s20;
	v8 =	vsel vm1, v8, v10;
	v6 =	vsel vm2, v6, v9;
	v9 =	vperm.xlane v5, v0;
	v10 =	vld [tilespmem:s22+$0x3B60]  }
0x9c: {  	s25 =	sshrl.u32 s17, $0x2;
	s26 =	sadd.s32 $0x1A900, s21;
	s21 =	smul.u32 $0x320, s24;
	v3 =	vsel vm2, v8, v3;
	v5 =	vsel vm3, v6, v5;
	v6 =	vperm.xlane v1, v0;
	v8 =	vld [tilespmem:s22+$0x3840]  }
0x9d: {  	s24 =	sshll.u32 s24, $0x4;
	s23 =	sadd.s32 s25, s23;
	v3 =	vsel vm3, v3, v9;
	v5 =	vsel vm4, v5, v7;
	v7 =	vperm.xlane v4, v0;
	v9 =	vld [tilespmem:s22+$0x41A0]  }
0x9e: {  	s23 =	sshll.u32 s23, $0x4;
	s21 =	sadd.s32 s25, s21;
	v2 =	vsel vm4, v3, v2;
	v3 =	vsel vm5, v5, v4;
	v4 =	vperm.xlane v11, v0;
	v5 =	vld [tilespmem:s22+$0x3E80]  }
0x9f: {  	s23 =	sand.u32 $0x3FFFFFF0, s23;
	s21 =	sshll.u32 s21, $0x4;
	v2 =	vsel vm5, v2, v7;
	v3 =	vsel vm6, v3, v6;
	v6 =	vperm.xlane v12, v0;
	v7 =	vld [tilespmem:s22+$0x47E0]  }
0xa0: {  	v1 =	vsel vm6, v2, v1;
	v2 =	vsel vm7, v3, v12;
	v3 =	vperm.xlane v10, v0;
	v12 =	vld [tilespmem:s22+$0x44C0]  }
0xa1: {  	v1 =	vsel vm7, v1, v6;
	v2 =	vsel vm8, v2, v4;
	v4 =	vperm.xlane v8, v0  }
0xa2: {  	v1 =	vsel vm8, v1, v11;
	v2 =	vsel vm9, v2, v8;
	v6 =	vperm.xlane v9, v0  }
0xa3: {  	v1 =	vsel vm9, v1, v4;
	v2 =	vsel vm10, v2, v3;
	v3 =	vperm.xlane v5, v0  }
0xa4: {  	v1 =	vsel vm10, v1, v10;
	v2 =	vsel vm11, v2, v5;
	v4 =	vperm.xlane v7, v0  }
0xa5: {  	v1 =	vsel vm11, v1, v3;
	v2 =	vsel vm12, v2, v6;
	v3 =	vperm.xlane v12, v0  }
0xa6: {  	v1 =	vsel vm12, v1, v9;
	v2 =	vsel vm13, v2, v12  }
0xa7: {  	s22 =	sor.u32 s19, s18;
	s18 =	smov.u32 s26;
	s19 =	smov.u32 s24;
	v1 =	vsel vm13, v1, v3;
	v2 =	vsel vm14, v2, v4  }
0xa8: {  	v1 =	vsel vm14, v1, v7;
	[tilespmem:s22+$0x0] =	vst v2  }
0xa9: {  	[tilespmem:s22+$0x80] =	vst v1  }
0xaa: {  	v1 =	vld [tilespmem:s23+$0x2260]  }
0xab: {  	v2 =	vld [tilespmem:s23+$0x1C20]  }
0xac: {  	v3 =	vld [tilespmem:s23+$0x1900]  }
0xad: {  	v4 =	vld [tilespmem:s23+$0x1F40]  }
0xae: {  	v5 =	vld [tilespmem:s23+$0x28A0]  }
0xaf: {  	v6 =	vld [tilespmem:s23+$0x2580]  }
0xb0: {  	v7 =	vperm.xlane v2, v0;
	v8 =	vld [tilespmem:s23+$0x2EE0]  }
0xb1: {  	v9 =	vperm.xlane v3, v0;
	v10 =	vld [tilespmem:s23+$0x2BC0]  }
0xb2: {  	v11 =	vperm.xlane v1, v0;
	v3 =	vsel vm0, v3, v7;
	v7 =	vperm.xlane v4, v0;
	v12 =	vld [tilespmem:s23+$0x3520]  }
0xb3: {  	v2 =	vsel vm0, v9, v2;
	v3 =	vsel vm1, v3, v4;
	v4 =	vperm.xlane v5, v0;
	v9 =	vld [tilespmem:s23+$0x3200]  }
0xb4: {  	v2 =	vsel vm1, v2, v7;
	v3 =	vsel vm2, v3, v11;
	v7 =	vperm.xlane v6, v0;
	v11 =	vld [tilespmem:s23+$0x3B60]  }
0xb5: {  	v1 =	vsel vm2, v2, v1;
	v2 =	vsel vm3, v3, v6;
	v3 =	vperm.xlane v8, v0;
	v6 =	vld [tilespmem:s23+$0x3840]  }
0xb6: {  	v1 =	vsel vm3, v1, v7;
	v2 =	vsel vm4, v2, v4;
	v4 =	vperm.xlane v10, v0;
	v7 =	vld [tilespmem:s23+$0x41A0]  }
0xb7: {  	v1 =	vsel vm4, v1, v5;
	v2 =	vsel vm5, v2, v10;
	v5 =	vperm.xlane v12, v0;
	v10 =	vld [tilespmem:s23+$0x3E80]  }
0xb8: {  	v1 =	vsel vm5, v1, v4;
	v2 =	vsel vm6, v2, v3;
	v3 =	vperm.xlane v9, v0;
	v4 =	vld [tilespmem:s23+$0x47E0]  }
0xb9: {  	v1 =	vsel vm6, v1, v8;
	v2 =	vsel vm7, v2, v9;
	v8 =	vperm.xlane v11, v0;
	v9 =	vld [tilespmem:s23+$0x44C0]  }
0xba: {  	v1 =	vsel vm7, v1, v3;
	v2 =	vsel vm8, v2, v5;
	v3 =	vperm.xlane v6, v0  }
0xbb: {  	v1 =	vsel vm8, v1, v12;
	v2 =	vsel vm9, v2, v6;
	v5 =	vperm.xlane v7, v0  }
0xbc: {  	v1 =	vsel vm9, v1, v3;
	v2 =	vsel vm10, v2, v8;
	v3 =	vperm.xlane v10, v0  }
0xbd: {  	v1 =	vsel vm10, v1, v11;
	v2 =	vsel vm11, v2, v10;
	v6 =	vperm.xlane v4, v0  }
0xbe: {  	v1 =	vsel vm11, v1, v3;
	v2 =	vsel vm12, v2, v5;
	v3 =	vperm.xlane v9, v0  }
0xbf: {  	s20 =	sshll.u32 s20, $0x4;
	v1 =	vsel vm12, v1, v7;
	v2 =	vsel vm13, v2, v9  }
0xc0: {  	s20 =	sor.u32 s20, s18;
	v1 =	vsel vm13, v1, v3;
	v2 =	vsel vm14, v2, v6  }
0xc1: {  	v1 =	vsel vm14, v1, v4;
	[tilespmem:s20+$0x0] =	vst v2  }
0xc2: {  	s22 =	sand.u32 $0x3FFFFFF0, s21;
	[tilespmem:s20+$0x80] =	vst v1  }
0xc3: {  	v7 =	vld [tilespmem:s22+$0x1900]  }
0xc4: {  	v4 =	vld [tilespmem:s22+$0x1C20]  }
0xc5: {  	v3 =	vld [tilespmem:s22+$0x2260]  }
.Ltmp1:
0xc6: {  	v6 =	vld [tilespmem:s22+$0x1F40];
	(pc) =	sbr.rel @p0 .LBB2_4-.Ltmp1, $4  }
0xc7: {  	v2 =	vld [tilespmem:s22+$0x28A0]  }
0xc8: {  	v8 =	vperm.xlane v7, v0;
	v5 =	vld [tilespmem:s22+$0x2580]  }
0xc9: {  	v10 =	vperm.xlane v4, v0;
	v1 =	vld [tilespmem:s22+$0x2EE0]  }
0xca: {  	v8 =	vsel vm0, v8, v4;
	v9 =	vperm.xlane v3, v0;
	v4 =	vld [tilespmem:s22+$0x2BC0]  }
0xcb: {  	v7 =	vsel vm0, v7, v10;
	v10 =	vperm.xlane v6, v0;
	v11 =	vld [tilespmem:s22+$0x3520]  }
0xcc: {  	v12 =	vld [tilespmem:s22+$0x3200];
	v6 =	vsel vm1, v7, v6;
	v7 =	vperm.xlane v2, v0  }
0xcd: {  	v8 =	vsel vm1, v8, v10;
	v6 =	vsel vm2, v6, v9;
	v9 =	vperm.xlane v5, v0;
	v10 =	vld [tilespmem:s22+$0x3B60]  }
0xce: {  	v3 =	vsel vm2, v8, v3;
	v5 =	vsel vm3, v6, v5;
	v6 =	vperm.xlane v1, v0;
	v8 =	vld [tilespmem:s22+$0x3840]  }
0xcf: {  	v3 =	vsel vm3, v3, v9;
	v5 =	vsel vm4, v5, v7;
	v7 =	vperm.xlane v4, v0;
	v9 =	vld [tilespmem:s22+$0x41A0]  }
0xd0: {  	v2 =	vsel vm4, v3, v2;
	v3 =	vsel vm5, v5, v4;
	v4 =	vperm.xlane v11, v0;
	v5 =	vld [tilespmem:s22+$0x3E80]  }
0xd1: {  	v2 =	vsel vm5, v2, v7;
	v3 =	vsel vm6, v3, v6;
	v6 =	vperm.xlane v12, v0;
	v7 =	vld [tilespmem:s22+$0x47E0]  }
0xd2: {  	v62 =	vld [tilespmem:s22+$0x44C0];
	v1 =	vsel vm6, v2, v1;
	v2 =	vsel vm7, v3, v12;
	v3 =	vperm.xlane v10, v0  }
0xd3: {  	v1 =	vsel vm7, v1, v6;
	v2 =	vsel vm8, v2, v4;
	v4 =	vperm.xlane v8, v0  }
0xd4: {  	v1 =	vsel vm8, v1, v11;
	v2 =	vsel vm9, v2, v8;
	v6 =	vperm.xlane v9, v0  }
0xd5: {  	v1 =	vsel vm9, v1, v4;
	v2 =	vsel vm10, v2, v3;
	v3 =	vperm.xlane v5, v0  }
0xd6: {  	v1 =	vsel vm10, v1, v10;
	v2 =	vsel vm11, v2, v5;
	v4 =	vperm.xlane v7, v0  }
0xd7: {  	s17 =	simm.s32 $0x0;
	v1 =	vsel vm11, v1, v3;
	v2 =	vsel vm12, v2, v6;
	v3 =	vperm.xlane v62, v0  }
0xd8: {  	s20 =	sand.u32 $0x2, s17;
	v1 =	vsel vm12, v1, v9;
	v2 =	vsel vm13, v2, v62  }
0xd9: {  	s18 =	sor.u32 s19, s18;
	s28 =	sor.u32 $0x4, s20;
	v1 =	vsel vm13, v1, v3;
	v2 =	vsel vm14, v2, v4  }
0xda: {  	s21 =	smul.u32 $0x320, s28;
	v1 =	vsel vm14, v1, v7;
	[tilespmem:s18+$0x0] =	vst v2  }
0xdb: {  	[tilespmem:s18+$0x80] =	vst v1  }
0xdc: {  	s29 =	sadd.s32 $0x0, s21;
	_ =	swait.ge [sflag:s12], $0xC800  }
0xdd: {  	s18 =	sshll.u32 s29, $0x4;
	[sflag:s12] =	ssyncset.done $0x0  }
0xde: {  	s18 =	sand.u32 $0x3FFFFFF0, s18;
	[sflag:s12] =	ssyncadd.s32 $0xFFFF3800  }
0xdf: {  	v1 =	vld [tilespmem:s18+$0x2260]  }
0xe0: {  	v2 =	vld [tilespmem:s18+$0x1C20]  }
0xe1: {  	v3 =	vld [tilespmem:s18+$0x1900]  }
0xe2: {  	v4 =	vld [tilespmem:s18+$0x1F40]  }
0xe3: {  	v5 =	vld [tilespmem:s18+$0x28A0]  }
0xe4: {  	v6 =	vld [tilespmem:s18+$0x2580]  }
0xe5: {  	v8 =	vld [tilespmem:s18+$0x2EE0];
	v7 =	vperm.xlane v2, v0  }
0xe6: {  	v10 =	vld [tilespmem:s18+$0x2BC0];
	v9 =	vperm.xlane v3, v0  }
0xe7: {  	v63 =	vld [tilespmem:s18+$0x3520];
	v11 =	vperm.xlane v1, v0;
	v3 =	vsel vm0, v3, v7;
	v7 =	vperm.xlane v4, v0  }
0xe8: {  	v2 =	vsel vm0, v9, v2;
	v9 =	vld [tilespmem:s18+$0x3200];
	v3 =	vsel vm1, v3, v4;
	v4 =	vperm.xlane v5, v0  }
0xe9: {  	v2 =	vsel vm1, v2, v7;
	v3 =	vsel vm2, v3, v11;
	v7 =	vperm.xlane v6, v0;
	v11 =	vld [tilespmem:s18+$0x3B60]  }
0xea: {  	v1 =	vsel vm2, v2, v1;
	v2 =	vsel vm3, v3, v6;
	v3 =	vperm.xlane v8, v0;
	v6 =	vld [tilespmem:s18+$0x3840]  }
0xeb: {  	v1 =	vsel vm3, v1, v7;
	v2 =	vsel vm4, v2, v4;
	v4 =	vperm.xlane v10, v0;
	v7 =	vld [tilespmem:s18+$0x41A0]  }
0xec: {  	v1 =	vsel vm4, v1, v5;
	v2 =	vsel vm5, v2, v10;
	v5 =	vperm.xlane v63, v0;
	v10 =	vld [tilespmem:s18+$0x3E80]  }
0xed: {  	v1 =	vsel vm5, v1, v4;
	v2 =	vsel vm6, v2, v3;
	v3 =	vperm.xlane v9, v0;
	v4 =	vld [tilespmem:s18+$0x47E0]  }
0xee: {  	v1 =	vsel vm6, v1, v8;
	v2 =	vsel vm7, v2, v9;
	v8 =	vperm.xlane v11, v0;
	v9 =	vld [tilespmem:s18+$0x44C0]  }
0xef: {  	v1 =	vsel vm7, v1, v3;
	v2 =	vsel vm8, v2, v5;
	v3 =	vperm.xlane v6, v0  }
0xf0: {  	v1 =	vsel vm8, v1, v63;
	v2 =	vsel vm9, v2, v6;
	v5 =	vperm.xlane v7, v0  }
0xf1: {  	v1 =	vsel vm9, v1, v3;
	v2 =	vsel vm10, v2, v8;
	v3 =	vperm.xlane v10, v0  }
0xf2: {  	s30 =	simm.s32 $0x0;
	s20 =	sor.u32 $0x5, s20;
	v1 =	vsel vm10, v1, v11;
	v2 =	vsel vm11, v2, v10;
	v6 =	vperm.xlane v4, v0  }
0xf3: {  	s31 =	smul.u32 $0x320, s20;
	s18 =	sand.u32 $0x3FFFFF00, s30;
	v1 =	vsel vm11, v1, v3;
	v2 =	vsel vm12, v2, v5;
	v3 =	vperm.xlane v9, v0  }
0xf4: {  	s19 =	sshll.u32 s28, $0x4;
	s18 =	sadd.s32 $0x1A900, s18;
	v1 =	vsel vm12, v1, v7;
	v2 =	vsel vm13, v2, v9  }
0xf5: {  	s21 =	sadd.s32 $0x0, s31;
	s19 =	sor.u32 s19, s18;
	v1 =	vsel vm13, v1, v3;
	v2 =	vsel vm14, v2, v6  }
0xf6: {  	s21 =	sshll.u32 s21, $0x4;
	v1 =	vsel vm14, v1, v4;
	[tilespmem:s19+$0x0] =	vst v2  }
0xf7: {  	s22 =	sand.u32 $0x3FFFFFF0, s21;
	[tilespmem:s19+$0x80] =	vst v1  }
0xf8: {  	v7 =	vld [tilespmem:s22+$0x1900]  }
0xf9: {  	v4 =	vld [tilespmem:s22+$0x1C20]  }
0xfa: {  	v3 =	vld [tilespmem:s22+$0x2260]  }
0xfb: {  	v6 =	vld [tilespmem:s22+$0x1F40]  }
0xfc: {  	v2 =	vld [tilespmem:s22+$0x28A0]  }
0xfd: {  	v5 =	vld [tilespmem:s22+$0x2580];
	v8 =	vperm.xlane v7, v0  }
0xfe: {  	v1 =	vld [tilespmem:s22+$0x2EE0];
	v10 =	vperm.xlane v4, v0  }
0xff: {  	s19 =	sshll.u32 s20, $0x4;
	v9 =	vperm.xlane v3, v0;
	v8 =	vsel vm0, v8, v4;
	v4 =	vld [tilespmem:s22+$0x2BC0]  }
.LBB2_6:
0x100: {  	s17 =	sadd.s32 $0x2, s17;
	v7 =	vsel vm0, v7, v10;
	v10 =	vperm.xlane v6, v0;
	v11 =	vld [tilespmem:s22+$0x3520]  }
0x101: {  	s20 =	sand.u32 $0x2, s17;
	s21 =	sshll.u32 s17, $0x6;
	p0 =	slt.u32 s17, $0xC6;
	v6 =	vsel vm1, v7, v6;
	v7 =	vperm.xlane v2, v0;
	v12 =	vld [tilespmem:s22+$0x3200]  }
0x102: {  	s23 =	sor.u32 $0x4, s20;
	s21 =	sand.u32 $0x3FFFFF00, s21;
	s24 =	sor.u32 $0x5, s20;
	v8 =	vsel vm1, v8, v10;
	v6 =	vsel vm2, v6, v9;
	v9 =	vperm.xlane v5, v0;
	v10 =	vld [tilespmem:s22+$0x3B60]  }
0x103: {  	s25 =	smul.u32 $0x320, s23;
	s26 =	sadd.s32 $0x1A900, s21;
	s20 =	sshll.u32 s23, $0x4;
	v3 =	vsel vm2, v8, v3;
	v5 =	vsel vm3, v6, v5;
	v6 =	vperm.xlane v1, v0;
	v8 =	vld [tilespmem:s22+$0x3840]  }
0x104: {  	s21 =	sshrl.u32 s17, $0x2;
	s23 =	smul.u32 $0x320, s24;
	s24 =	sshll.u32 s24, $0x4;
	v3 =	vsel vm3, v3, v9;
	v5 =	vsel vm4, v5, v7;
	v7 =	vperm.xlane v4, v0;
	v9 =	vld [tilespmem:s22+$0x41A0]  }
0x105: {  	s25 =	sadd.s32 s21, s25;
	v2 =	vsel vm4, v3, v2;
	v3 =	vsel vm5, v5, v4;
	v4 =	vperm.xlane v11, v0;
	v5 =	vld [tilespmem:s22+$0x3E80]  }
0x106: {  	s21 =	sadd.s32 s21, s23;
	s25 =	sshll.u32 s25, $0x4;
	v2 =	vsel vm5, v2, v7;
	v3 =	vsel vm6, v3, v6;
	v6 =	vperm.xlane v12, v0;
	v7 =	vld [tilespmem:s22+$0x47E0]  }
0x107: {  	s21 =	sshll.u32 s21, $0x4;
	s23 =	sand.u32 $0x3FFFFFF0, s25;
	v1 =	vsel vm6, v2, v1;
	v2 =	vsel vm7, v3, v12;
	v3 =	vperm.xlane v10, v0;
	v12 =	vld [tilespmem:s22+$0x44C0]  }
0x108: {  	v1 =	vsel vm7, v1, v6;
	v2 =	vsel vm8, v2, v4;
	v4 =	vperm.xlane v8, v0  }
0x109: {  	v1 =	vsel vm8, v1, v11;
	v2 =	vsel vm9, v2, v8;
	v6 =	vperm.xlane v9, v0  }
0x10a: {  	v1 =	vsel vm9, v1, v4;
	v2 =	vsel vm10, v2, v3;
	v3 =	vperm.xlane v5, v0  }
0x10b: {  	v1 =	vsel vm10, v1, v10;
	v2 =	vsel vm11, v2, v5;
	v4 =	vperm.xlane v7, v0  }
0x10c: {  	v1 =	vsel vm11, v1, v3;
	v2 =	vsel vm12, v2, v6;
	v3 =	vperm.xlane v12, v0  }
0x10d: {  	v1 =	vsel vm12, v1, v9;
	v2 =	vsel vm13, v2, v12  }
0x10e: {  	s22 =	sor.u32 s19, s18;
	s18 =	smov.u32 s26;
	s19 =	smov.u32 s24;
	v1 =	vsel vm13, v1, v3;
	v2 =	vsel vm14, v2, v4  }
0x10f: {  	v1 =	vsel vm14, v1, v7;
	[tilespmem:s22+$0x0] =	vst v2  }
0x110: {  	[tilespmem:s22+$0x80] =	vst v1  }
0x111: {  	v1 =	vld [tilespmem:s23+$0x2260]  }
0x112: {  	v2 =	vld [tilespmem:s23+$0x1C20]  }
0x113: {  	v3 =	vld [tilespmem:s23+$0x1900]  }
0x114: {  	v4 =	vld [tilespmem:s23+$0x1F40]  }
0x115: {  	v5 =	vld [tilespmem:s23+$0x28A0]  }
0x116: {  	v6 =	vld [tilespmem:s23+$0x2580]  }
0x117: {  	v7 =	vperm.xlane v2, v0;
	v8 =	vld [tilespmem:s23+$0x2EE0]  }
0x118: {  	v9 =	vperm.xlane v3, v0;
	v10 =	vld [tilespmem:s23+$0x2BC0]  }
0x119: {  	v11 =	vperm.xlane v1, v0;
	v3 =	vsel vm0, v3, v7;
	v7 =	vperm.xlane v4, v0;
	v12 =	vld [tilespmem:s23+$0x3520]  }
0x11a: {  	v2 =	vsel vm0, v9, v2;
	v3 =	vsel vm1, v3, v4;
	v4 =	vperm.xlane v5, v0;
	v9 =	vld [tilespmem:s23+$0x3200]  }
0x11b: {  	v2 =	vsel vm1, v2, v7;
	v3 =	vsel vm2, v3, v11;
	v7 =	vperm.xlane v6, v0;
	v11 =	vld [tilespmem:s23+$0x3B60]  }
0x11c: {  	v1 =	vsel vm2, v2, v1;
	v2 =	vsel vm3, v3, v6;
	v3 =	vperm.xlane v8, v0;
	v6 =	vld [tilespmem:s23+$0x3840]  }
0x11d: {  	v1 =	vsel vm3, v1, v7;
	v2 =	vsel vm4, v2, v4;
	v4 =	vperm.xlane v10, v0;
	v7 =	vld [tilespmem:s23+$0x41A0]  }
0x11e: {  	v1 =	vsel vm4, v1, v5;
	v2 =	vsel vm5, v2, v10;
	v5 =	vperm.xlane v12, v0;
	v10 =	vld [tilespmem:s23+$0x3E80]  }
0x11f: {  	v1 =	vsel vm5, v1, v4;
	v2 =	vsel vm6, v2, v3;
	v3 =	vperm.xlane v9, v0;
	v4 =	vld [tilespmem:s23+$0x47E0]  }
0x120: {  	v1 =	vsel vm6, v1, v8;
	v2 =	vsel vm7, v2, v9;
	v8 =	vperm.xlane v11, v0;
	v9 =	vld [tilespmem:s23+$0x44C0]  }
0x121: {  	v1 =	vsel vm7, v1, v3;
	v2 =	vsel vm8, v2, v5;
	v3 =	vperm.xlane v6, v0  }
0x122: {  	v1 =	vsel vm8, v1, v12;
	v2 =	vsel vm9, v2, v6;
	v5 =	vperm.xlane v7, v0  }
0x123: {  	v1 =	vsel vm9, v1, v3;
	v2 =	vsel vm10, v2, v8;
	v3 =	vperm.xlane v10, v0  }
0x124: {  	v1 =	vsel vm10, v1, v11;
	v2 =	vsel vm11, v2, v10;
	v6 =	vperm.xlane v4, v0  }
0x125: {  	v1 =	vsel vm11, v1, v3;
	v2 =	vsel vm12, v2, v5;
	v3 =	vperm.xlane v9, v0  }
0x126: {  	v1 =	vsel vm12, v1, v7;
	v2 =	vsel vm13, v2, v9  }
0x127: {  	s20 =	sor.u32 s20, s18;
	v1 =	vsel vm13, v1, v3;
	v2 =	vsel vm14, v2, v6  }
0x128: {  	v1 =	vsel vm14, v1, v4;
	[tilespmem:s20+$0x0] =	vst v2  }
0x129: {  	s22 =	sand.u32 $0x3FFFFFF0, s21;
	[tilespmem:s20+$0x80] =	vst v1  }
0x12a: {  	v7 =	vld [tilespmem:s22+$0x1900]  }
0x12b: {  	v4 =	vld [tilespmem:s22+$0x1C20]  }
0x12c: {  	v3 =	vld [tilespmem:s22+$0x2260]  }
.Ltmp2:
0x12d: {  	v6 =	vld [tilespmem:s22+$0x1F40];
	(pc) =	sbr.rel @p0 .LBB2_6-.Ltmp2, $4  }
0x12e: {  	v2 =	vld [tilespmem:s22+$0x28A0]  }
0x12f: {  	v8 =	vperm.xlane v7, v0;
	v5 =	vld [tilespmem:s22+$0x2580]  }
0x130: {  	v10 =	vperm.xlane v4, v0;
	v1 =	vld [tilespmem:s22+$0x2EE0]  }
0x131: {  	v8 =	vsel vm0, v8, v4;
	v9 =	vperm.xlane v3, v0;
	v4 =	vld [tilespmem:s22+$0x2BC0]  }
0x132: {  	v7 =	vsel vm0, v7, v10;
	v46 =	vperm.xlane v6, v0;
	v11 =	vld [tilespmem:s22+$0x3520]  }
0x133: {  	v12 =	vld [tilespmem:s22+$0x3200];
	v47 =	vsel vm1, v7, v6;
	v48 =	vperm.xlane v2, v0  }
0x134: {  	v53 =	vld [tilespmem:s22+$0x3840];
	v8 =	vsel vm1, v8, v46;
	v6 =	vsel vm2, v47, v9;
	v49 =	vperm.xlane v5, v0  }
0x135: {  	v50 =	vld [tilespmem:s22+$0x3B60];
	v3 =	vsel vm2, v8, v3;
	v51 =	vsel vm3, v6, v5;
	v52 =	vperm.xlane v1, v0  }
0x136: {  	v55 =	vld [tilespmem:s22+$0x41A0];
	v3 =	vsel vm3, v3, v49;
	v5 =	vsel vm4, v51, v48;
	v54 =	vperm.xlane v4, v0  }
0x137: {  	v57 =	vld [tilespmem:s22+$0x3E80];
	v2 =	vsel vm4, v3, v2;
	v3 =	vsel vm5, v5, v4;
	v56 =	vperm.xlane v11, v0  }
0x138: {  	v59 =	vld [tilespmem:s22+$0x47E0];
	v58 =	vperm.xlane v12, v0;
	v2 =	vsel vm5, v2, v54;
	v3 =	vsel vm6, v3, v52  }
0x139: {  	v60 =	vld [tilespmem:s22+$0x44C0];
	v61 =	vperm.xlane v53, v0;
	v1 =	vsel vm6, v2, v1;
	v2 =	vsel vm7, v3, v12  }
0x13a: {  	v3 =	vperm.xlane v50, v0;
	v1 =	vsel vm7, v1, v58;
	v2 =	vsel vm8, v2, v56  }
0x13b: {  	v62 =	vperm.xlane v55, v0;
	v1 =	vsel vm8, v1, v11;
	v2 =	vsel vm9, v2, v53  }
0x13c: {  	v1 =	vsel vm9, v1, v61;
	v2 =	vsel vm10, v2, v3;
	v3 =	vperm.xlane v57, v0  }
0x13d: {  	v63 =	vperm.xlane v59, v0;
	v1 =	vsel vm10, v1, v50;
	v2 =	vsel vm11, v2, v57  }
0x13e: {  	v1 =	vsel vm11, v1, v3;
	v2 =	vsel vm12, v2, v62;
	v3 =	vperm.xlane v60, v0  }
0x13f: {  	v1 =	vsel vm12, v1, v55;
	v2 =	vsel vm13, v2, v60  }
0x140: {  	s17 =	sor.u32 s19, s18;
	s16 =	sadd.s32 $0x1, s16;
	v1 =	vsel vm13, v1, v3;
	v2 =	vsel vm14, v2, v63  }
0x141: {  	p0 =	sne.s32 s16, s6;
	v1 =	vsel vm14, v1, v59;
	[tilespmem:s17+$0x0] =	vst v2  }
.Ltmp3:
0x142: {  	[tilespmem:s17+$0x80] =	vst v1;
	(pc) =	sbr.rel @p0 .LBB2_1-.Ltmp3, $4  }
0x143: {  	[hbm4b:s5+s13] =	stream.strided.scatter [tilespmem:s15], [sflag:$0x3], $0x3200, s14, s13, $0x38;
	[tilespmem:$0x1DB00] =	vst v63  }
0x144: {  	_ =	swait.ge [sflag:s7], $0x3200  }
0x145: {  	[sflag:s7] =	ssyncset.done $0x0  }
0x146: {  	[sflag:s7] =	ssyncadd.s32 $0xFFFFCE00  }
0x147: {  	_ =	sfence.sel $0x180000  }
0x148: {  	[bflag:$0x0] =	sbarrier.arrive $0xFFFF  }
0x149: {  	p0 =	sne.s32 s0, $0x0;
	_ =	strace $0x90000047  }
0x14a: {  	s0 =	sadd.s32 @!p0 $0x100000, s1;
	[bflag:$0x2] =	sbarrier.arrive $0xFFFF  }
0x14b: {  	[sflag:s0] =	ssyncadd.tile.s32 @!p0 $0x1;
	_ =	shalt  }
.Lfunc_end2:
_tile_overlayer_lowered:
.L_overlay_start_2:
0x14c: {  	(tag) =	ssettag $0x2  }
0x14d: {  	s0 =	rddreg [dreg:$0x0];
	s2 =	stileid.u32  }
0x14e: {  	s1 =	rddreg [dreg:$0x1];
	p0 =	sne.s32 s2, $0x0  }
0x14f: {  	s3 =	rddreg [dreg:$0x2];
	[bflag:$0x3] =	sbarrier.arrive $0xFFFF;
	s2 =	simm.s32 @!p0 $0x1C03  }
0x150: {  	[timem:s3], [sflag:s2] =	dma.local @!p0 [hbm:s0], s1  }
0x151: {  	s0 =	simm.s32 @!p0 $0x3  }
0x152: {  	_ =	swait.ge @!p0 [sflag:s0], s1  }
0x153: {  	s1 =	ssub.s32 @!p0 $0x0, s1;
	[sflag:s0] =	ssyncset.done @!p0 $0x0  }
0x154: {  	[sflag:s0] =	ssyncadd.s32 @!p0 s1  }
0x155: {  	[bflag:$0x3] =	sbarrier.arrive $0xFFFF  }
0x156: {  	_ =	shalt  }

</sc_bundles>
